<compile_context>
chip_gen: v7x
topology: tpu7x:2x2x1
jax: 0.10.2.dev20260603
libtpu: 0.0.44.dev20260713+nightly
codegen_flags: <defaults>
</compile_context>

<pallas_src>
import jax
import jax.numpy as jnp
from jax import lax
from jax.experimental import pallas as pl
from jax.experimental.pallas import tpu as pltpu
from jax.experimental.pallas import tpu_sc as plsc

_NB = 64
_GRID = 768 // _NB
_SP = 64
_CH = 128
_ROWS = _NB * _SP
_FCB = 1024


def _mem_body(feats_ref, keysr_ref, keyc_ref, out_ref):
    f32 = jnp.float32
    kc = keyc_ref[:, 0:1]
    kr = keysr_ref[0:1, :]
    eq = (kc == kr).astype(f32)
    cnt = jnp.sum(eq, axis=1, keepdims=True)
    sums = jnp.dot(eq, feats_ref[...], preferred_element_type=f32)
    out_ref[...] = sums / cnt


def _sc_gather_body(table_hbm, idx_hbm, out_hbm, idx_v, rows_v, sem):
    wid = lax.axis_index("s") * 2 + lax.axis_index("c")
    pltpu.sync_copy(idx_hbm.at[wid], idx_v)
    for b in range(3):
        pltpu.async_copy(table_hbm.at[idx_v.at[b]], rows_v, sem).wait()
        pltpu.sync_copy(rows_v, out_hbm.at[pl.ds(wid * 384 + b * 128, 128)])


def _conv_body(memr_ref, pb_ref, ws_ref, bs_ref, out_ref):
    f32 = jnp.float32

    x = pb_ref[...]

    ng = _NB * 72
    jj = lax.broadcasted_iota(jnp.int32, (ng + 16, 1), 0)
    xpos = jj % 8
    ygrp = ((jj - 8) // 8) % 9
    notgap = ygrp <= 7
    bmask = {}
    for dx in (-1, 0, 1):
        valid = (xpos + dx >= 0) & (xpos + dx <= 7) & notgap
        bmask[dx] = valid.astype(f32)

    gz = jnp.zeros((_NB, 8, _CH), f32)
    xg = jnp.concatenate([x.reshape(_NB, 64, _CH), gz], axis=1)
    xg = xg.reshape(ng, _CH)

    for layer in range(3):
        zpad = jnp.zeros((16, _CH), f32)
        pad = jnp.concatenate([zpad, xg, zpad], axis=0)
        base = {}
        for dx in (-1, 0, 1):
            base[dx] = pad[8 + dx:8 + dx + ng + 16, :] * bmask[dx]
        acc = jnp.zeros((ng, _CH), f32)
        t = 0
        for dy in (-1, 0, 1):
            for dx in (-1, 0, 1):
                tap = base[dx][8 + dy * 8:8 + dy * 8 + ng, :]
                acc = acc + jnp.dot(tap, ws_ref[layer, t],
                                    preferred_element_type=f32)
                t += 1
        xg = jnp.maximum(acc + bs_ref[layer, 0:1, :], 0.0)

    x = xg.reshape(_NB, 72, _CH)[:, :64, :].reshape(_ROWS, _CH)
    out_ref[...] = x + memr_ref[...]


def kernel(style_ids, comp_ids, comp_feats, bias, W1, b1, W2, b2, W3, b3):
    f32 = jnp.float32
    offsets = jnp.array([0, 19, 40], dtype=comp_ids.dtype)
    comp_addrs = comp_ids + offsets[None, :]
    flat_addrs = comp_addrs.reshape(-1)
    keys = (style_ids[:, None] * 68 + comp_addrs).reshape(-1)
    keys_f = keys.astype(f32)
    addrs_f = flat_addrs.astype(f32)

    x = comp_feats.reshape(768, 128, 64).transpose(0, 2, 1).reshape(768, 8192)
    keyc = jnp.broadcast_to(keys_f[:, None], (768, 128))
    keysr = jnp.broadcast_to(keys_f[None, :], (8, 768))
    bias_t = bias.reshape(68, 128, 64).transpose(0, 2, 1).reshape(68, 8192)
    bias_r = bias_t.reshape(1088, 512)
    gidx = (flat_addrs.astype(jnp.int32)[:, None] * 16
            + jnp.arange(16, dtype=jnp.int32)[None, :]).reshape(32, 3, 128)
    ws = jnp.stack([w.transpose(2, 3, 1, 0).reshape(9, 128, 128)
                    for w in (W1, W2, W3)])
    bs = jnp.stack([jnp.broadcast_to(b[None, :], (8, 128))
                    for b in (b1, b2, b3)])

    mem = pl.pallas_call(
        _mem_body,
        grid=(8192 // _FCB,),
        in_specs=[
            pl.BlockSpec((768, _FCB), lambda j: (0, j)),
            pl.BlockSpec((8, 768), lambda j: (0, 0)),
            pl.BlockSpec((768, 128), lambda j: (0, 0)),
        ],
        out_specs=pl.BlockSpec((768, _FCB), lambda j: (0, j)),
        out_shape=jax.ShapeDtypeStruct((768, 8192), f32),
    )(x, keysr, keyc)
    mem_r = mem.reshape(768 * _SP, _CH)

    sc_gather = pl.kernel(
        _sc_gather_body,
        out_type=jax.ShapeDtypeStruct((12288, 512), f32),
        mesh=plsc.VectorSubcoreMesh(core_axis_name="c",
                                    subcore_axis_name="s"),
        scratch_types=[
            pltpu.VMEM((3, 128), jnp.int32),
            pltpu.VMEM((128, 512), f32),
            pltpu.SemaphoreType.DMA,
        ],
    )
    pb = sc_gather(bias_r, gidx).reshape(768 * _SP, _CH)

    out = pl.pallas_call(
        _conv_body,
        grid=(_GRID,),
        in_specs=[
            pl.BlockSpec((_ROWS, _CH), lambda i: (i, 0)),
            pl.BlockSpec((_ROWS, _CH), lambda i: (i, 0)),
            pl.BlockSpec((3, 9, 128, 128), lambda i: (0, 0, 0, 0)),
            pl.BlockSpec((3, 8, 128), lambda i: (0, 0, 0)),
        ],
        out_specs=pl.BlockSpec((_ROWS, _CH), lambda i: (i, 0)),
        out_shape=jax.ShapeDtypeStruct((768 * _SP, _CH), f32),
    )(mem_r, pb, ws, bs)

    return (out.reshape(768, 64, 128).transpose(0, 2, 1)
            .reshape(256, 3, 128, 8, 8))

# --- scband reference (transcript-rebuilt; emitter-appended) ---
"""Pipeline reference for scband-memory-66133906424236 (READ-ONLY COPY).

The authoritative reference and input builder live on the scoring server;
editing this copy changes nothing except your own understanding.
"""

import jax, jax.numpy as jnp
import numpy as np

N_CHO = 19
N_JUNG = 21
N_JONG = 28
N_COMPS = N_CHO + N_JUNG + N_JONG  # 68
N_STYLES = 64
B = 256
C, H, W = 128, 8, 8


def conv_block(x, w, b):
    # ConvBlock assumed: Conv2d(C, C, 3, padding=1) + ReLU
    y = jax.lax.conv_general_dilated(
        x, w, window_strides=(1, 1), padding='SAME',
        dimension_numbers=('NCHW', 'OIHW', 'NCHW'))
    y = y + b[None, :, None, None]
    return jax.nn.relu(y)


def setup_inputs(seed: int = 0) -> dict:
    key = jax.random.key(seed)
    ks = jax.random.split(key, 10)
    style_ids = jax.random.randint(ks[0], (B,), 0, N_STYLES)
    comp_ids = jax.random.randint(ks[1], (B, 3), 0, 19)
    comp_feats = jax.random.normal(ks[2], (B, 3, C, H, W), dtype=jnp.float32)
    bias = jax.random.normal(ks[3], (N_COMPS, C, H, W), dtype=jnp.float32)
    W1 = jax.random.normal(ks[4], (C, C, 3, 3), dtype=jnp.float32) * 0.05
    b1 = jnp.zeros((C,), dtype=jnp.float32)
    W2 = jax.random.normal(ks[5], (C, C, 3, 3), dtype=jnp.float32) * 0.05
    b2 = jnp.zeros((C,), dtype=jnp.float32)
    W3 = jax.random.normal(ks[6], (C, C, 3, 3), dtype=jnp.float32) * 0.05
    b3 = jnp.zeros((C,), dtype=jnp.float32)
    return {'style_ids': style_ids, 'comp_ids': comp_ids, 'comp_feats': comp_feats,
            'bias': bias, 'W1': W1, 'b1': b1, 'W2': W2, 'b2': b2, 'W3': W3, 'b3': b3}


def reference(style_ids, comp_ids, comp_feats, bias, W1, b1, W2, b2, W3, b3):
    # comp_id_to_addr for 'kor'
    offsets = jnp.array([0, N_CHO, N_CHO + N_JUNG], dtype=comp_ids.dtype)
    comp_addrs = comp_ids + offsets[None, :]              # [B, 3]
    flat_addrs = comp_addrs.reshape(-1)                   # [B*3]
    keys = (style_ids[:, None] * N_COMPS + comp_addrs).reshape(-1)  # [B*3]

    # DynamicMemory.write: scatter-add features keyed by (style_id, comp_addr)
    feats = comp_feats.reshape(B * 3, C * H * W)
    sums = jnp.zeros((N_STYLES * N_COMPS, C * H * W), dtype=jnp.float32).at[keys].add(feats)
    counts = jnp.zeros((N_STYLES * N_COMPS,), dtype=jnp.float32).at[keys].add(1.0)

    # DynamicMemory.read with reduction='mean': gather and normalize
    mem = sums[keys] / counts[keys][:, None]
    mem = mem.reshape(B, 3, C, H, W)

    # PersistentMemory.forward: gather bias, run hypernet, add
    pb = bias[flat_addrs]                                  # [B*3, C, H, W]
    pb = conv_block(pb, W1, b1)
    pb = conv_block(pb, W2, b2)
    pb = conv_block(pb, W3, b3)
    pb = pb.reshape(B, 3, C, H, W)
    return mem + pb

if __name__ == "__main__":
    import jax
    _d = setup_inputs()
    print(jax.jit(kernel)(*tuple(_d.values())))

</pallas_src>

<mosaic_0001>
#map = affine_map<(d0, d1) -> (0, 0)>
#map1 = affine_map<(d0, d1) -> (0, 0, 0)>
module attributes {stable_mosaic.version = 14 : i64} {
  func.func @_sc_gather_body(%arg0: i32, %arg1: i32, %arg2: memref<1088x512xf32, #tpu.memory_space<hbm>>, %arg3: memref<32x3x128xi32, #tpu.memory_space<hbm>>, %arg4: memref<12288x512xf32, #tpu.memory_space<hbm>>, %arg5: memref<3x128xi32, #tpu.memory_space<vmem>>, %arg6: memref<128x512xf32, #tpu.memory_space<vmem>>, %arg7: memref<!tpu.dma_semaphore, #tpu.memory_space<semaphore_mem>>) attributes {dimension_semantics = [#tpu.dimension_semantics<core_parallel>, #tpu.dimension_semantics<subcore_parallel>], iteration_bounds = array<i64: 2, 16>, scalar_prefetch = 0 : i64, scratch_operands = 3 : i64, tpu.core_type = #tpu.core_type<sc_vector_subcore>, window_params = [{transform_indices = #map}, {transform_indices = #map1}, {transform_indices = #map}]} {
    %mul3A = arith.constant 2 : i32
    %mul3A_0 = arith.muli %arg1, %mul3A : i32
    %add3A = arith.addi %mul3A_0, %arg0 : i32
    "tpu.region"() ({
      %run_scoped3A = tpu.sem_alloc : memref<!tpu.dma_semaphore, #tpu.memory_space<semaphore_mem>>
      %dma_start3A_53 = arith.constant 0 : i32
      %dma_start3A_54 = arith.constant 0 : i32
      %dma_start3A_55 = tpu.memref_slice %arg3[%add3A, %dma_start3A_53, %dma_start3A_54] : memref<32x3x128xi32, #tpu.memory_space<hbm>> -> memref<1x3x128xi32, #tpu.memory_space<hbm>>
      %dma_start3A_56 = tpu.memref_squeeze %dma_start3A_55 : memref<1x3x128xi32, #tpu.memory_space<hbm>> -> memref<3x128xi32, #tpu.memory_space<hbm>>
      %dma_start3A_57 = arith.constant 0 : i32
      %dma_start3A_58 = arith.constant 0 : i32
      %dma_start3A_59 = tpu.memref_slice %arg3[%add3A, %dma_start3A_57, %dma_start3A_58] : memref<32x3x128xi32, #tpu.memory_space<hbm>> -> memref<1x3x128xi32, #tpu.memory_space<hbm>>
      %dma_start3A_60 = tpu.memref_squeeze %dma_start3A_59 : memref<1x3x128xi32, #tpu.memory_space<hbm>> -> memref<3x128xi32, #tpu.memory_space<hbm>>
      tpu.enqueue_dma source(%dma_start3A_60 : memref<3x128xi32, #tpu.memory_space<hbm>>) target(%arg5 : memref<3x128xi32, #tpu.memory_space<vmem>>) target_semaphore(%run_scoped3A : memref<!tpu.dma_semaphore, #tpu.memory_space<semaphore_mem>>)
      %dma_wait3A_61 = arith.constant 0 : i32
      %dma_wait3A_62 = arith.constant 0 : i32
      %dma_wait3A_63 = tpu.memref_slice %arg3[%add3A, %dma_wait3A_61, %dma_wait3A_62] : memref<32x3x128xi32, #tpu.memory_space<hbm>> -> memref<1x3x128xi32, #tpu.memory_space<hbm>>
      %dma_wait3A_64 = tpu.memref_squeeze %dma_wait3A_63 : memref<1x3x128xi32, #tpu.memory_space<hbm>> -> memref<3x128xi32, #tpu.memory_space<hbm>>
      %dma_wait3A_65 = arith.constant 0 : i32
      %dma_wait3A_66 = arith.constant 0 : i32
      %dma_wait3A_67 = tpu.memref_slice %arg3[%add3A, %dma_wait3A_65, %dma_wait3A_66] : memref<32x3x128xi32, #tpu.memory_space<hbm>> -> memref<1x3x128xi32, #tpu.memory_space<hbm>>
      %dma_wait3A_68 = tpu.memref_squeeze %dma_wait3A_67 : memref<1x3x128xi32, #tpu.memory_space<hbm>> -> memref<3x128xi32, #tpu.memory_space<hbm>>
      tpu.wait_dma2 semaphore(%run_scoped3A : memref<!tpu.dma_semaphore, #tpu.memory_space<semaphore_mem>>) src(%dma_wait3A_68 : memref<3x128xi32, #tpu.memory_space<hbm>>) dst(%arg5 : memref<3x128xi32, #tpu.memory_space<vmem>>)
      tpu.yield
    }) : () -> ()
    %dma_start3A = arith.constant 0 : i32
    %dma_start3A_1 = arith.constant 0 : i32
    %dma_start3A_2 = tpu.memref_slice %arg5[%dma_start3A, %dma_start3A_1] : memref<3x128xi32, #tpu.memory_space<vmem>> -> memref<1x128xi32, #tpu.memory_space<vmem>>
    %dma_start3A_3 = tpu.memref_squeeze %dma_start3A_2 : memref<1x128xi32, #tpu.memory_space<vmem>> -> memref<128xi32, #tpu.memory_space<vmem>>
    %dma_start3A_4 = arith.constant 0 : i32
    %dma_start3A_5 = arith.constant 0 : i32
    %dma_start3A_6 = tpu.memref_slice %arg2[%dma_start3A_4, %dma_start3A_5] : memref<1088x512xf32, #tpu.memory_space<hbm>> -> memref<1088x512xf32, #tpu.memory_space<hbm>>
    tpu.enqueue_indirect_dma source(%dma_start3A_6 : memref<1088x512xf32, #tpu.memory_space<hbm>>) target(%arg6 : memref<128x512xf32, #tpu.memory_space<vmem>>) offsets(%dma_start3A_3 : memref<128xi32, #tpu.memory_space<vmem>>) semaphore(%arg7 : memref<!tpu.dma_semaphore, #tpu.memory_space<semaphore_mem>>)
    %dma_wait3A = arith.constant 0 : i32
    %dma_wait3A_7 = arith.constant 0 : i32
    %dma_wait3A_8 = tpu.memref_slice %arg5[%dma_wait3A, %dma_wait3A_7] : memref<3x128xi32, #tpu.memory_space<vmem>> -> memref<1x128xi32, #tpu.memory_space<vmem>>
    %dma_wait3A_9 = tpu.memref_squeeze %dma_wait3A_8 : memref<1x128xi32, #tpu.memory_space<vmem>> -> memref<128xi32, #tpu.memory_space<vmem>>
    %dma_wait3A_10 = arith.constant 0 : i32
    %dma_wait3A_11 = arith.constant 0 : i32
    %dma_wait3A_12 = tpu.memref_slice %arg2[%dma_wait3A_10, %dma_wait3A_11] : memref<1088x512xf32, #tpu.memory_space<hbm>> -> memref<1088x512xf32, #tpu.memory_space<hbm>>
    tpu.wait_indirect_dma semaphore(%arg7 : memref<!tpu.dma_semaphore, #tpu.memory_space<semaphore_mem>>) src(%dma_wait3A_12 : memref<1088x512xf32, #tpu.memory_space<hbm>>) dst(%arg6 : memref<128x512xf32, #tpu.memory_space<vmem>>)
    %mul3A_13 = arith.constant 384 : i32
    %mul3A_14 = arith.muli %add3A, %mul3A_13 : i32
    %add3A_15 = arith.constant 0 : i32
    %add3A_16 = arith.addi %mul3A_14, %add3A_15 : i32
    "tpu.region"() ({
      %run_scoped3A = tpu.sem_alloc : memref<!tpu.dma_semaphore, #tpu.memory_space<semaphore_mem>>
      %dma_start3A_53 = arith.constant 0 : i32
      %dma_start3A_54 = tpu.memref_slice %arg4[%add3A_16, %dma_start3A_53] : memref<12288x512xf32, #tpu.memory_space<hbm>> -> memref<128x512xf32, #tpu.memory_space<hbm>>
      %dma_start3A_55 = arith.constant 0 : i32
      %dma_start3A_56 = tpu.memref_slice %arg4[%add3A_16, %dma_start3A_55] : memref<12288x512xf32, #tpu.memory_space<hbm>> -> memref<128x512xf32, #tpu.memory_space<hbm>>
      tpu.enqueue_dma source(%arg6 : memref<128x512xf32, #tpu.memory_space<vmem>>) target(%dma_start3A_56 : memref<128x512xf32, #tpu.memory_space<hbm>>) target_semaphore(%run_scoped3A : memref<!tpu.dma_semaphore, #tpu.memory_space<semaphore_mem>>)
      %dma_wait3A_57 = arith.constant 0 : i32
      %dma_wait3A_58 = tpu.memref_slice %arg4[%add3A_16, %dma_wait3A_57] : memref<12288x512xf32, #tpu.memory_space<hbm>> -> memref<128x512xf32, #tpu.memory_space<hbm>>
      %dma_wait3A_59 = arith.constant 0 : i32
      %dma_wait3A_60 = tpu.memref_slice %arg4[%add3A_16, %dma_wait3A_59] : memref<12288x512xf32, #tpu.memory_space<hbm>> -> memref<128x512xf32, #tpu.memory_space<hbm>>
      tpu.wait_dma2 semaphore(%run_scoped3A : memref<!tpu.dma_semaphore, #tpu.memory_space<semaphore_mem>>) src(%arg6 : memref<128x512xf32, #tpu.memory_space<vmem>>) dst(%dma_wait3A_60 : memref<128x512xf32, #tpu.memory_space<hbm>>)
      tpu.yield
    }) : () -> ()
    %dma_start3A_17 = arith.constant 1 : i32
    %dma_start3A_18 = arith.constant 0 : i32
    %dma_start3A_19 = tpu.memref_slice %arg5[%dma_start3A_17, %dma_start3A_18] : memref<3x128xi32, #tpu.memory_space<vmem>> -> memref<1x128xi32, #tpu.memory_space<vmem>>
    %dma_start3A_20 = tpu.memref_squeeze %dma_start3A_19 : memref<1x128xi32, #tpu.memory_space<vmem>> -> memref<128xi32, #tpu.memory_space<vmem>>
    %dma_start3A_21 = arith.constant 0 : i32
    %dma_start3A_22 = arith.constant 0 : i32
    %dma_start3A_23 = tpu.memref_slice %arg2[%dma_start3A_21, %dma_start3A_22] : memref<1088x512xf32, #tpu.memory_space<hbm>> -> memref<1088x512xf32, #tpu.memory_space<hbm>>
    tpu.enqueue_indirect_dma source(%dma_start3A_23 : memref<1088x512xf32, #tpu.memory_space<hbm>>) target(%arg6 : memref<128x512xf32, #tpu.memory_space<vmem>>) offsets(%dma_start3A_20 : memref<128xi32, #tpu.memory_space<vmem>>) semaphore(%arg7 : memref<!tpu.dma_semaphore, #tpu.memory_space<semaphore_mem>>)
    %dma_wait3A_24 = arith.constant 1 : i32
    %dma_wait3A_25 = arith.constant 0 : i32
    %dma_wait3A_26 = tpu.memref_slice %arg5[%dma_wait3A_24, %dma_wait3A_25] : memref<3x128xi32, #tpu.memory_space<vmem>> -> memref<1x128xi32, #tpu.memory_space<vmem>>
    %dma_wait3A_27 = tpu.memref_squeeze %dma_wait3A_26 : memref<1x128xi32, #tpu.memory_space<vmem>> -> memref<128xi32, #tpu.memory_space<vmem>>
    %dma_wait3A_28 = arith.constant 0 : i32
    %dma_wait3A_29 = arith.constant 0 : i32
    %dma_wait3A_30 = tpu.memref_slice %arg2[%dma_wait3A_28, %dma_wait3A_29] : memref<1088x512xf32, #tpu.memory_space<hbm>> -> memref<1088x512xf32, #tpu.memory_space<hbm>>
    tpu.wait_indirect_dma semaphore(%arg7 : memref<!tpu.dma_semaphore, #tpu.memory_space<semaphore_mem>>) src(%dma_wait3A_30 : memref<1088x512xf32, #tpu.memory_space<hbm>>) dst(%arg6 : memref<128x512xf32, #tpu.memory_space<vmem>>)
    %mul3A_31 = arith.constant 384 : i32
    %mul3A_32 = arith.muli %add3A, %mul3A_31 : i32
    %add3A_33 = arith.constant 128 : i32
    %add3A_34 = arith.addi %mul3A_32, %add3A_33 : i32
    "tpu.region"() ({
      %run_scoped3A = tpu.sem_alloc : memref<!tpu.dma_semaphore, #tpu.memory_space<semaphore_mem>>
      %dma_start3A_53 = arith.constant 0 : i32
      %dma_start3A_54 = tpu.memref_slice %arg4[%add3A_34, %dma_start3A_53] : memref<12288x512xf32, #tpu.memory_space<hbm>> -> memref<128x512xf32, #tpu.memory_space<hbm>>
      %dma_start3A_55 = arith.constant 0 : i32
      %dma_start3A_56 = tpu.memref_slice %arg4[%add3A_34, %dma_start3A_55] : memref<12288x512xf32, #tpu.memory_space<hbm>> -> memref<128x512xf32, #tpu.memory_space<hbm>>
      tpu.enqueue_dma source(%arg6 : memref<128x512xf32, #tpu.memory_space<vmem>>) target(%dma_start3A_56 : memref<128x512xf32, #tpu.memory_space<hbm>>) target_semaphore(%run_scoped3A : memref<!tpu.dma_semaphore, #tpu.memory_space<semaphore_mem>>)
      %dma_wait3A_57 = arith.constant 0 : i32
      %dma_wait3A_58 = tpu.memref_slice %arg4[%add3A_34, %dma_wait3A_57] : memref<12288x512xf32, #tpu.memory_space<hbm>> -> memref<128x512xf32, #tpu.memory_space<hbm>>
      %dma_wait3A_59 = arith.constant 0 : i32
      %dma_wait3A_60 = tpu.memref_slice %arg4[%add3A_34, %dma_wait3A_59] : memref<12288x512xf32, #tpu.memory_space<hbm>> -> memref<128x512xf32, #tpu.memory_space<hbm>>
      tpu.wait_dma2 semaphore(%run_scoped3A : memref<!tpu.dma_semaphore, #tpu.memory_space<semaphore_mem>>) src(%arg6 : memref<128x512xf32, #tpu.memory_space<vmem>>) dst(%dma_wait3A_60 : memref<128x512xf32, #tpu.memory_space<hbm>>)
      tpu.yield
    }) : () -> ()
    %dma_start3A_35 = arith.constant 2 : i32
    %dma_start3A_36 = arith.constant 0 : i32
    %dma_start3A_37 = tpu.memref_slice %arg5[%dma_start3A_35, %dma_start3A_36] : memref<3x128xi32, #tpu.memory_space<vmem>> -> memref<1x128xi32, #tpu.memory_space<vmem>>
    %dma_start3A_38 = tpu.memref_squeeze %dma_start3A_37 : memref<1x128xi32, #tpu.memory_space<vmem>> -> memref<128xi32, #tpu.memory_space<vmem>>
    %dma_start3A_39 = arith.constant 0 : i32
    %dma_start3A_40 = arith.constant 0 : i32
    %dma_start3A_41 = tpu.memref_slice %arg2[%dma_start3A_39, %dma_start3A_40] : memref<1088x512xf32, #tpu.memory_space<hbm>> -> memref<1088x512xf32, #tpu.memory_space<hbm>>
    tpu.enqueue_indirect_dma source(%dma_start3A_41 : memref<1088x512xf32, #tpu.memory_space<hbm>>) target(%arg6 : memref<128x512xf32, #tpu.memory_space<vmem>>) offsets(%dma_start3A_38 : memref<128xi32, #tpu.memory_space<vmem>>) semaphore(%arg7 : memref<!tpu.dma_semaphore, #tpu.memory_space<semaphore_mem>>)
    %dma_wait3A_42 = arith.constant 2 : i32
    %dma_wait3A_43 = arith.constant 0 : i32
    %dma_wait3A_44 = tpu.memref_slice %arg5[%dma_wait3A_42, %dma_wait3A_43] : memref<3x128xi32, #tpu.memory_space<vmem>> -> memref<1x128xi32, #tpu.memory_space<vmem>>
    %dma_wait3A_45 = tpu.memref_squeeze %dma_wait3A_44 : memref<1x128xi32, #tpu.memory_space<vmem>> -> memref<128xi32, #tpu.memory_space<vmem>>
    %dma_wait3A_46 = arith.constant 0 : i32
    %dma_wait3A_47 = arith.constant 0 : i32
    %dma_wait3A_48 = tpu.memref_slice %arg2[%dma_wait3A_46, %dma_wait3A_47] : memref<1088x512xf32, #tpu.memory_space<hbm>> -> memref<1088x512xf32, #tpu.memory_space<hbm>>
    tpu.wait_indirect_dma semaphore(%arg7 : memref<!tpu.dma_semaphore, #tpu.memory_space<semaphore_mem>>) src(%dma_wait3A_48 : memref<1088x512xf32, #tpu.memory_space<hbm>>) dst(%arg6 : memref<128x512xf32, #tpu.memory_space<vmem>>)
    %mul3A_49 = arith.constant 384 : i32
    %mul3A_50 = arith.muli %add3A, %mul3A_49 : i32
    %add3A_51 = arith.constant 256 : i32
    %add3A_52 = arith.addi %mul3A_50, %add3A_51 : i32
    "tpu.region"() ({
      %run_scoped3A = tpu.sem_alloc : memref<!tpu.dma_semaphore, #tpu.memory_space<semaphore_mem>>
      %dma_start3A_53 = arith.constant 0 : i32
      %dma_start3A_54 = tpu.memref_slice %arg4[%add3A_52, %dma_start3A_53] : memref<12288x512xf32, #tpu.memory_space<hbm>> -> memref<128x512xf32, #tpu.memory_space<hbm>>
      %dma_start3A_55 = arith.constant 0 : i32
      %dma_start3A_56 = tpu.memref_slice %arg4[%add3A_52, %dma_start3A_55] : memref<12288x512xf32, #tpu.memory_space<hbm>> -> memref<128x512xf32, #tpu.memory_space<hbm>>
      tpu.enqueue_dma source(%arg6 : memref<128x512xf32, #tpu.memory_space<vmem>>) target(%dma_start3A_56 : memref<128x512xf32, #tpu.memory_space<hbm>>) target_semaphore(%run_scoped3A : memref<!tpu.dma_semaphore, #tpu.memory_space<semaphore_mem>>)
      %dma_wait3A_57 = arith.constant 0 : i32
      %dma_wait3A_58 = tpu.memref_slice %arg4[%add3A_52, %dma_wait3A_57] : memref<12288x512xf32, #tpu.memory_space<hbm>> -> memref<128x512xf32, #tpu.memory_space<hbm>>
      %dma_wait3A_59 = arith.constant 0 : i32
      %dma_wait3A_60 = tpu.memref_slice %arg4[%add3A_52, %dma_wait3A_59] : memref<12288x512xf32, #tpu.memory_space<hbm>> -> memref<128x512xf32, #tpu.memory_space<hbm>>
      tpu.wait_dma2 semaphore(%run_scoped3A : memref<!tpu.dma_semaphore, #tpu.memory_space<semaphore_mem>>) src(%arg6 : memref<128x512xf32, #tpu.memory_space<vmem>>) dst(%dma_wait3A_60 : memref<128x512xf32, #tpu.memory_space<hbm>>)
      tpu.yield
    }) : () -> ()
    return
  }
}

module attributes {stable_mosaic.version = 14 : i64} {
  func.func @_mem_body(%arg0: i32, %arg1: memref<768x1024xf32, #tpu.memory_space<vmem>>, %arg2: memref<8x768xf32, #tpu.memory_space<vmem>>, %arg3: memref<768x128xf32, #tpu.memory_space<vmem>>, %arg4: memref<768x1024xf32, #tpu.memory_space<vmem>>) attributes {dimension_semantics = [#tpu.dimension_semantics<arbitrary>], iteration_bounds = array<i64: 8>, scalar_prefetch = 0 : i64, scratch_operands = 0 : i64, tpu.core_type = #tpu.core_type<tc>, window_params = [{transform_indices = @transform_0, window_bounds = array<i64: 768, 1024>}, {pipeline_mode = #tpu.pipeline_mode<synchronous>, transform_indices = @transform_1, window_bounds = array<i64: 8, 768>}, {pipeline_mode = #tpu.pipeline_mode<synchronous>, transform_indices = @transform_2, window_bounds = array<i64: 768, 128>}, {transform_indices = @transform_3, window_bounds = array<i64: 768, 1024>}]} {
    %get3A = arith.constant 0 : index
    %get3A_0 = arith.constant 0 : index
    %get3A_1 = vector.load %arg3[%get3A, %get3A_0] : memref<768x128xf32, #tpu.memory_space<vmem>>, vector<768x1xf32>
    %get3A_2 = arith.constant 0 : index
    %get3A_3 = arith.constant 0 : index
    %get3A_4 = vector.load %arg2[%get3A_2, %get3A_3] : memref<8x768xf32, #tpu.memory_space<vmem>>, vector<1x768xf32>
    %eq3A = vector.broadcast %get3A_1 : vector<768x1xf32> to vector<768x768xf32>
    %eq3A_5 = vector.broadcast %get3A_4 : vector<1x768xf32> to vector<768x768xf32>
    %eq3A_6 = arith.cmpf oeq, %eq3A, %eq3A_5 : vector<768x768xf32>
    %convert_element_type3A = arith.extui %eq3A_6 : vector<768x768xi1> to vector<768x768xi32>
    %convert_element_type3A_7 = arith.sitofp %convert_element_type3A : vector<768x768xi32> to vector<768x768xf32>
    %reduce_sum3A = arith.constant dense<0.000000e+00> : vector<768xf32>
    %reduce_sum3A_8 = vector.multi_reduction <add>, %convert_element_type3A_7, %reduce_sum3A [1] : vector<768x768xf32> to vector<768xf32>
    %broadcast_in_dim3A = vector.shape_cast %reduce_sum3A_8 : vector<768xf32> to vector<768x1xf32>
    %get3A_9 = arith.constant 0 : index
    %get3A_10 = arith.constant 0 : index
    %get3A_11 = vector.load %arg1[%get3A_9, %get3A_10] : memref<768x1024xf32, #tpu.memory_space<vmem>>, vector<768x1024xf32>
    %dot_general3A = arith.constant dense<0.000000e+00> : vector<768x1024xf32>
    %dot_general3A_12 = tpu.matmul %convert_element_type3A_7, %get3A_11, %dot_general3A {dimension_numbers = #tpu.dot_dimension_numbers<[1], [0], [0], [1], [0, 0, 1, 1], [], []>, transpose_lhs_hint = false} : vector<768x768xf32>, vector<768x1024xf32>, vector<768x1024xf32> -> vector<768x1024xf32>
    %div3A = vector.broadcast %broadcast_in_dim3A : vector<768x1xf32> to vector<768x1024xf32>
    %div3A_13 = arith.divf %dot_general3A_12, %div3A : vector<768x1024xf32>
    %swap3A = arith.constant 0 : index
    %swap3A_14 = arith.constant 0 : index
    %swap3A_15 = vector.load %arg4[%swap3A, %swap3A_14] : memref<768x1024xf32, #tpu.memory_space<vmem>>, vector<768x1024xf32>
    tpu.vector_store %arg4[%swap3A, %swap3A_14], %div3A_13 {strides = array<i32>} : memref<768x1024xf32, #tpu.memory_space<vmem>>, vector<768x1024xf32>,
    return
  }
  func.func @transform_0(%arg0: i32) -> (i32, i32) {
    %c0_i32 = arith.constant 0 : i32
    %c0_i32_0 = arith.constant 0 : i32
    return %c0_i32, %arg0 : i32, i32
  }
  func.func @transform_1(%arg0: i32) -> (i32, i32) {
    %c0_i32 = arith.constant 0 : i32
    %c0_i32_0 = arith.constant 0 : i32
    %c0_i32_1 = arith.constant 0 : i32
    return %c0_i32, %c0_i32_0 : i32, i32
  }
  func.func @transform_2(%arg0: i32) -> (i32, i32) {
    %c0_i32 = arith.constant 0 : i32
    %c0_i32_0 = arith.constant 0 : i32
    %c0_i32_1 = arith.constant 0 : i32
    return %c0_i32, %c0_i32_0 : i32, i32
  }
  func.func @transform_3(%arg0: i32) -> (i32, i32) {
    %c0_i32 = arith.constant 0 : i32
    %c0_i32_0 = arith.constant 0 : i32
    return %c0_i32, %arg0 : i32, i32
  }
}

module attributes {stable_mosaic.version = 14 : i64} {
  func.func @_conv_body(%arg0: i32, %arg1: memref<4096x128xf32, #tpu.memory_space<vmem>>, %arg2: memref<4096x128xf32, #tpu.memory_space<vmem>>, %arg3: memref<3x9x128x128xf32, #tpu.memory_space<vmem>>, %arg4: memref<3x8x128xf32, #tpu.memory_space<vmem>>, %arg5: memref<4096x128xf32, #tpu.memory_space<vmem>>) attributes {dimension_semantics = [#tpu.dimension_semantics<arbitrary>], iteration_bounds = array<i64: 12>, scalar_prefetch = 0 : i64, scratch_operands = 0 : i64, tpu.core_type = #tpu.core_type<tc>, window_params = [{transform_indices = @transform_0, window_bounds = array<i64: 4096, 128>}, {transform_indices = @transform_1, window_bounds = array<i64: 4096, 128>}, {pipeline_mode = #tpu.pipeline_mode<synchronous>, transform_indices = @transform_2, window_bounds = array<i64: 3, 9, 128, 128>}, {pipeline_mode = #tpu.pipeline_mode<synchronous>, transform_indices = @transform_3, window_bounds = array<i64: 3, 8, 128>}, {transform_indices = @transform_4, window_bounds = array<i64: 4096, 128>}]} {
    %get3A = arith.constant 0 : index
    %get3A_0 = arith.constant 0 : index
    %get3A_1 = vector.load %arg2[%get3A, %get3A_0] : memref<4096x128xf32, #tpu.memory_space<vmem>>, vector<4096x128xf32>
    %iota3A = tpu.iota {dimensions = array<i32: 0>} : vector<4624x1xi32>
    %jit3A = arith.constant 8 : i32
    %eq3A = arith.constant 0 : i32
    %eq3A_2 = arith.cmpi eq, %jit3A, %eq3A : i32
    %jit3A_3 = arith.constant 1 : i32
    %select_n3A = arith.select %eq3A_2, %jit3A_3, %jit3A : i32
    %rem3A = vector.broadcast %select_n3A : i32 to vector<4624x1xi32>
    %rem3A_4 = arith.remsi %iota3A, %rem3A : vector<4624x1xi32>
    %ne3A = arith.constant 0 : i32
    %ne3A_5 = vector.broadcast %ne3A : i32 to vector<4624x1xi32>
    %ne3A_6 = arith.cmpi ne, %rem3A_4, %ne3A_5 : vector<4624x1xi32>
    %lt3A = arith.constant 0 : i32
    %lt3A_7 = vector.broadcast %lt3A : i32 to vector<4624x1xi32>
    %lt3A_8 = arith.cmpi slt, %rem3A_4, %lt3A_7 : vector<4624x1xi32>
    %lt3A_9 = arith.constant 0 : i32
    %lt3A_10 = arith.cmpi slt, %select_n3A, %lt3A_9 : i32
    %ne3A_11 = vector.broadcast %lt3A_10 : i1 to vector<4624x1xi1>
    %ne3A_12 = vector.broadcast %ne3A_11 : vector<4624x1xi1> to vector<4624x1xi1>
    %ne3A_13 = arith.xori %lt3A_8, %ne3A_12 : vector<4624x1xi1>
    %and3A = arith.andi %ne3A_13, %ne3A_6 : vector<4624x1xi1>
    %add3A = vector.broadcast %select_n3A : i32 to vector<4624x1xi32>
    %add3A_14 = arith.addi %rem3A_4, %add3A : vector<4624x1xi32>
    %select_n3A_15 = arith.select %and3A, %add3A_14, %rem3A_4 : vector<4624x1xi1>, vector<4624x1xi32>
    %sub3A = arith.constant 8 : i32
    %sub3A_16 = vector.broadcast %sub3A : i32 to vector<4624x1xi32>
    %sub3A_17 = arith.subi %iota3A, %sub3A_16 : vector<4624x1xi32>
    %jit3A_18 = arith.constant 8 : i32
    %div3A = vector.broadcast %jit3A_18 : i32 to vector<4624x1xi32>
    %div3A_19 = arith.divsi %sub3A_17, %div3A : vector<4624x1xi32>
    %sign3A = arith.constant 0 : i32
    %sign3A_20 = vector.broadcast %sign3A : i32 to vector<4624x1xi32>
    %sign3A_21 = arith.cmpi sgt, %sub3A_17, %sign3A_20 : vector<4624x1xi32>
    %sign3A_22 = arith.extui %sign3A_21 : vector<4624x1xi1> to vector<4624x1xi32>
    %sign3A_23 = arith.constant 0 : i32
    %sign3A_24 = vector.broadcast %sign3A_23 : i32 to vector<4624x1xi32>
    %sign3A_25 = arith.cmpi slt, %sub3A_17, %sign3A_24 : vector<4624x1xi32>
    %sign3A_26 = arith.extui %sign3A_25 : vector<4624x1xi1> to vector<4624x1xi32>
    %sign3A_27 = arith.subi %sign3A_22, %sign3A_26 : vector<4624x1xi32>
    %sign3A_28 = arith.constant 0 : i32
    %sign3A_29 = arith.cmpi sgt, %jit3A_18, %sign3A_28 : i32
    %sign3A_30 = arith.extui %sign3A_29 : i1 to i32
    %sign3A_31 = arith.constant 0 : i32
    %sign3A_32 = arith.cmpi slt, %jit3A_18, %sign3A_31 : i32
    %sign3A_33 = arith.extui %sign3A_32 : i1 to i32
    %sign3A_34 = arith.subi %sign3A_30, %sign3A_33 : i32
    %ne3A_35 = vector.broadcast %sign3A_34 : i32 to vector<4624x1xi32>
    %ne3A_36 = arith.cmpi ne, %sign3A_27, %ne3A_35 : vector<4624x1xi32>
    %rem3A_37 = vector.broadcast %jit3A_18 : i32 to vector<4624x1xi32>
    %rem3A_38 = arith.remsi %sub3A_17, %rem3A_37 : vector<4624x1xi32>
    %ne3A_39 = arith.constant 0 : i32
    %ne3A_40 = vector.broadcast %ne3A_39 : i32 to vector<4624x1xi32>
    %ne3A_41 = arith.cmpi ne, %rem3A_38, %ne3A_40 : vector<4624x1xi32>
    %and3A_42 = arith.andi %ne3A_36, %ne3A_41 : vector<4624x1xi1>
    %sub3A_43 = arith.constant 1 : i32
    %sub3A_44 = vector.broadcast %sub3A_43 : i32 to vector<4624x1xi32>
    %sub3A_45 = arith.subi %div3A_19, %sub3A_44 : vector<4624x1xi32>
    %select_n3A_46 = arith.select %and3A_42, %sub3A_45, %div3A_19 : vector<4624x1xi1>, vector<4624x1xi32>
    %jit3A_47 = arith.constant 9 : i32
    %eq3A_48 = arith.constant 0 : i32
    %eq3A_49 = arith.cmpi eq, %jit3A_47, %eq3A_48 : i32
    %jit3A_50 = arith.constant 1 : i32
    %select_n3A_51 = arith.select %eq3A_49, %jit3A_50, %jit3A_47 : i32
    %rem3A_52 = vector.broadcast %select_n3A_51 : i32 to vector<4624x1xi32>
    %rem3A_53 = arith.remsi %select_n3A_46, %rem3A_52 : vector<4624x1xi32>
    %ne3A_54 = arith.constant 0 : i32
    %ne3A_55 = vector.broadcast %ne3A_54 : i32 to vector<4624x1xi32>
    %ne3A_56 = arith.cmpi ne, %rem3A_53, %ne3A_55 : vector<4624x1xi32>
    %lt3A_57 = arith.constant 0 : i32
    %lt3A_58 = vector.broadcast %lt3A_57 : i32 to vector<4624x1xi32>
    %lt3A_59 = arith.cmpi slt, %rem3A_53, %lt3A_58 : vector<4624x1xi32>
    %lt3A_60 = arith.constant 0 : i32
    %lt3A_61 = arith.cmpi slt, %select_n3A_51, %lt3A_60 : i32
    %ne3A_62 = vector.broadcast %lt3A_61 : i1 to vector<4624x1xi1>
    %ne3A_63 = vector.broadcast %ne3A_62 : vector<4624x1xi1> to vector<4624x1xi1>
    %ne3A_64 = arith.xori %lt3A_59, %ne3A_63 : vector<4624x1xi1>
    %and3A_65 = arith.andi %ne3A_64, %ne3A_56 : vector<4624x1xi1>
    %add3A_66 = vector.broadcast %select_n3A_51 : i32 to vector<4624x1xi32>
    %add3A_67 = arith.addi %rem3A_53, %add3A_66 : vector<4624x1xi32>
    %select_n3A_68 = arith.select %and3A_65, %add3A_67, %rem3A_53 : vector<4624x1xi1>, vector<4624x1xi32>
    %le3A = arith.constant 7 : i32
    %le3A_69 = vector.broadcast %le3A : i32 to vector<4624x1xi32>
    %le3A_70 = arith.cmpi sle, %select_n3A_68, %le3A_69 : vector<4624x1xi32>
    %add3A_71 = arith.constant -1 : i32
    %add3A_72 = vector.broadcast %add3A_71 : i32 to vector<4624x1xi32>
    %add3A_73 = arith.addi %select_n3A_15, %add3A_72 : vector<4624x1xi32>
    %ge3A = arith.constant 0 : i32
    %ge3A_74 = vector.broadcast %ge3A : i32 to vector<4624x1xi32>
    %ge3A_75 = arith.cmpi sge, %add3A_73, %ge3A_74 : vector<4624x1xi32>
    %add3A_76 = arith.constant -1 : i32
    %add3A_77 = vector.broadcast %add3A_76 : i32 to vector<4624x1xi32>
    %add3A_78 = arith.addi %select_n3A_15, %add3A_77 : vector<4624x1xi32>
    %le3A_79 = arith.constant 7 : i32
    %le3A_80 = vector.broadcast %le3A_79 : i32 to vector<4624x1xi32>
    %le3A_81 = arith.cmpi sle, %add3A_78, %le3A_80 : vector<4624x1xi32>
    %and3A_82 = arith.andi %ge3A_75, %le3A_81 : vector<4624x1xi1>
    %and3A_83 = arith.andi %and3A_82, %le3A_70 : vector<4624x1xi1>
    %convert_element_type3A = arith.extui %and3A_83 : vector<4624x1xi1> to vector<4624x1xi32>
    %convert_element_type3A_84 = arith.sitofp %convert_element_type3A : vector<4624x1xi32> to vector<4624x1xf32>
    %add3A_85 = arith.constant 0 : i32
    %add3A_86 = vector.broadcast %add3A_85 : i32 to vector<4624x1xi32>
    %add3A_87 = arith.addi %select_n3A_15, %add3A_86 : vector<4624x1xi32>
    %ge3A_88 = arith.constant 0 : i32
    %ge3A_89 = vector.broadcast %ge3A_88 : i32 to vector<4624x1xi32>
    %ge3A_90 = arith.cmpi sge, %add3A_87, %ge3A_89 : vector<4624x1xi32>
    %add3A_91 = arith.constant 0 : i32
    %add3A_92 = vector.broadcast %add3A_91 : i32 to vector<4624x1xi32>
    %add3A_93 = arith.addi %select_n3A_15, %add3A_92 : vector<4624x1xi32>
    %le3A_94 = arith.constant 7 : i32
    %le3A_95 = vector.broadcast %le3A_94 : i32 to vector<4624x1xi32>
    %le3A_96 = arith.cmpi sle, %add3A_93, %le3A_95 : vector<4624x1xi32>
    %and3A_97 = arith.andi %ge3A_90, %le3A_96 : vector<4624x1xi1>
    %and3A_98 = arith.andi %and3A_97, %le3A_70 : vector<4624x1xi1>
    %convert_element_type3A_99 = arith.extui %and3A_98 : vector<4624x1xi1> to vector<4624x1xi32>
    %convert_element_type3A_100 = arith.sitofp %convert_element_type3A_99 : vector<4624x1xi32> to vector<4624x1xf32>
    %add3A_101 = arith.constant 1 : i32
    %add3A_102 = vector.broadcast %add3A_101 : i32 to vector<4624x1xi32>
    %add3A_103 = arith.addi %select_n3A_15, %add3A_102 : vector<4624x1xi32>
    %ge3A_104 = arith.constant 0 : i32
    %ge3A_105 = vector.broadcast %ge3A_104 : i32 to vector<4624x1xi32>
    %ge3A_106 = arith.cmpi sge, %add3A_103, %ge3A_105 : vector<4624x1xi32>
    %add3A_107 = arith.constant 1 : i32
    %add3A_108 = vector.broadcast %add3A_107 : i32 to vector<4624x1xi32>
    %add3A_109 = arith.addi %select_n3A_15, %add3A_108 : vector<4624x1xi32>
    %le3A_110 = arith.constant 7 : i32
    %le3A_111 = vector.broadcast %le3A_110 : i32 to vector<4624x1xi32>
    %le3A_112 = arith.cmpi sle, %add3A_109, %le3A_111 : vector<4624x1xi32>
    %and3A_113 = arith.andi %ge3A_106, %le3A_112 : vector<4624x1xi1>
    %and3A_114 = arith.andi %and3A_113, %le3A_70 : vector<4624x1xi1>
    %convert_element_type3A_115 = arith.extui %and3A_114 : vector<4624x1xi1> to vector<4624x1xi32>
    %convert_element_type3A_116 = arith.sitofp %convert_element_type3A_115 : vector<4624x1xi32> to vector<4624x1xf32>
    %broadcast_in_dim3A = arith.constant 0.000000e+00 : f32
    %broadcast_in_dim3A_117 = vector.broadcast %broadcast_in_dim3A : f32 to vector<64x8x128xf32>
    %reshape3A = vector.shape_cast %get3A_1 : vector<4096x128xf32> to vector<64x64x128xf32>
    %concatenate3A = tpu.concatenate %reshape3A, %broadcast_in_dim3A_117 in 1 : vector<64x64x128xf32>, vector<64x8x128xf32> -> vector<64x72x128xf32>
    %reshape3A_118 = vector.shape_cast %concatenate3A : vector<64x72x128xf32> to vector<4608x128xf32>
    %broadcast_in_dim3A_119 = arith.constant 0.000000e+00 : f32
    %broadcast_in_dim3A_120 = vector.broadcast %broadcast_in_dim3A_119 : f32 to vector<16x128xf32>
    %concatenate3A_121 = tpu.concatenate %broadcast_in_dim3A_120, %reshape3A_118, %broadcast_in_dim3A_120 in 0 : vector<16x128xf32>, vector<4608x128xf32>, vector<16x128xf32> -> vector<4640x128xf32>
    %slice3A = vector.extract_strided_slice %concatenate3A_121 {offsets = [7, 0], sizes = [4624, 128], strides = [1, 1]} : vector<4640x128xf32> to vector<4624x128xf32>
    %mul3A = vector.broadcast %convert_element_type3A_84 : vector<4624x1xf32> to vector<4624x128xf32>
    %mul3A_122 = arith.mulf %slice3A, %mul3A : vector<4624x128xf32>
    %slice3A_123 = vector.extract_strided_slice %concatenate3A_121 {offsets = [8, 0], sizes = [4624, 128], strides = [1, 1]} : vector<4640x128xf32> to vector<4624x128xf32>
    %mul3A_124 = vector.broadcast %convert_element_type3A_100 : vector<4624x1xf32> to vector<4624x128xf32>
    %mul3A_125 = arith.mulf %slice3A_123, %mul3A_124 : vector<4624x128xf32>
    %slice3A_126 = vector.extract_strided_slice %concatenate3A_121 {offsets = [9, 0], sizes = [4624, 128], strides = [1, 1]} : vector<4640x128xf32> to vector<4624x128xf32>
    %mul3A_127 = vector.broadcast %convert_element_type3A_116 : vector<4624x1xf32> to vector<4624x128xf32>
    %mul3A_128 = arith.mulf %slice3A_126, %mul3A_127 : vector<4624x128xf32>
    %broadcast_in_dim3A_129 = arith.constant 0.000000e+00 : f32
    %broadcast_in_dim3A_130 = vector.broadcast %broadcast_in_dim3A_129 : f32 to vector<4608x128xf32>
    %slice3A_131 = vector.extract_strided_slice %mul3A_122 {offsets = [0, 0], sizes = [4608, 128], strides = [1, 1]} : vector<4624x128xf32> to vector<4608x128xf32>
    %get3A_132 = arith.constant 0 : index
    %get3A_133 = arith.constant 0 : index
    %get3A_134 = arith.constant 0 : index
    %get3A_135 = arith.constant 0 : index
    %get3A_136 = vector.load %arg3[%get3A_132, %get3A_133, %get3A_134, %get3A_135] : memref<3x9x128x128xf32, #tpu.memory_space<vmem>>, vector<1x1x128x128xf32>
    %get3A_137 = vector.shape_cast %get3A_136 : vector<1x1x128x128xf32> to vector<128x128xf32>
    %dot_general3A = arith.constant dense<0.000000e+00> : vector<4608x128xf32>
    %dot_general3A_138 = tpu.matmul %slice3A_131, %get3A_137, %dot_general3A {dimension_numbers = #tpu.dot_dimension_numbers<[1], [0], [0], [1], [0, 0, 1, 1], [], []>, transpose_lhs_hint = false} : vector<4608x128xf32>, vector<128x128xf32>, vector<4608x128xf32> -> vector<4608x128xf32>
    %add3A_139 = arith.addf %broadcast_in_dim3A_130, %dot_general3A_138 : vector<4608x128xf32>
    %slice3A_140 = vector.extract_strided_slice %mul3A_125 {offsets = [0, 0], sizes = [4608, 128], strides = [1, 1]} : vector<4624x128xf32> to vector<4608x128xf32>
    %get3A_141 = arith.constant 0 : index
    %get3A_142 = arith.constant 1 : index
    %get3A_143 = arith.constant 0 : index
    %get3A_144 = arith.constant 0 : index
    %get3A_145 = vector.load %arg3[%get3A_141, %get3A_142, %get3A_143, %get3A_144] : memref<3x9x128x128xf32, #tpu.memory_space<vmem>>, vector<1x1x128x128xf32>
    %get3A_146 = vector.shape_cast %get3A_145 : vector<1x1x128x128xf32> to vector<128x128xf32>
    %dot_general3A_147 = arith.constant dense<0.000000e+00> : vector<4608x128xf32>
    %dot_general3A_148 = tpu.matmul %slice3A_140, %get3A_146, %dot_general3A_147 {dimension_numbers = #tpu.dot_dimension_numbers<[1], [0], [0], [1], [0, 0, 1, 1], [], []>, transpose_lhs_hint = false} : vector<4608x128xf32>, vector<128x128xf32>, vector<4608x128xf32> -> vector<4608x128xf32>
    %add3A_149 = arith.addf %add3A_139, %dot_general3A_148 : vector<4608x128xf32>
    %slice3A_150 = vector.extract_strided_slice %mul3A_128 {offsets = [0, 0], sizes = [4608, 128], strides = [1, 1]} : vector<4624x128xf32> to vector<4608x128xf32>
    %get3A_151 = arith.constant 0 : index
    %get3A_152 = arith.constant 2 : index
    %get3A_153 = arith.constant 0 : index
    %get3A_154 = arith.constant 0 : index
    %get3A_155 = vector.load %arg3[%get3A_151, %get3A_152, %get3A_153, %get3A_154] : memref<3x9x128x128xf32, #tpu.memory_space<vmem>>, vector<1x1x128x128xf32>
    %get3A_156 = vector.shape_cast %get3A_155 : vector<1x1x128x128xf32> to vector<128x128xf32>
    %dot_general3A_157 = arith.constant dense<0.000000e+00> : vector<4608x128xf32>
    %dot_general3A_158 = tpu.matmul %slice3A_150, %get3A_156, %dot_general3A_157 {dimension_numbers = #tpu.dot_dimension_numbers<[1], [0], [0], [1], [0, 0, 1, 1], [], []>, transpose_lhs_hint = false} : vector<4608x128xf32>, vector<128x128xf32>, vector<4608x128xf32> -> vector<4608x128xf32>
    %add3A_159 = arith.addf %add3A_149, %dot_general3A_158 : vector<4608x128xf32>
    %slice3A_160 = vector.extract_strided_slice %mul3A_122 {offsets = [8, 0], sizes = [4608, 128], strides = [1, 1]} : vector<4624x128xf32> to vector<4608x128xf32>
    %get3A_161 = arith.constant 0 : index
    %get3A_162 = arith.constant 3 : index
    %get3A_163 = arith.constant 0 : index
    %get3A_164 = arith.constant 0 : index
    %get3A_165 = vector.load %arg3[%get3A_161, %get3A_162, %get3A_163, %get3A_164] : memref<3x9x128x128xf32, #tpu.memory_space<vmem>>, vector<1x1x128x128xf32>
    %get3A_166 = vector.shape_cast %get3A_165 : vector<1x1x128x128xf32> to vector<128x128xf32>
    %dot_general3A_167 = arith.constant dense<0.000000e+00> : vector<4608x128xf32>
    %dot_general3A_168 = tpu.matmul %slice3A_160, %get3A_166, %dot_general3A_167 {dimension_numbers = #tpu.dot_dimension_numbers<[1], [0], [0], [1], [0, 0, 1, 1], [], []>, transpose_lhs_hint = false} : vector<4608x128xf32>, vector<128x128xf32>, vector<4608x128xf32> -> vector<4608x128xf32>
    %add3A_169 = arith.addf %add3A_159, %dot_general3A_168 : vector<4608x128xf32>
    %slice3A_170 = vector.extract_strided_slice %mul3A_125 {offsets = [8, 0], sizes = [4608, 128], strides = [1, 1]} : vector<4624x128xf32> to vector<4608x128xf32>
    %get3A_171 = arith.constant 0 : index
    %get3A_172 = arith.constant 4 : index
    %get3A_173 = arith.constant 0 : index
    %get3A_174 = arith.constant 0 : index
    %get3A_175 = vector.load %arg3[%get3A_171, %get3A_172, %get3A_173, %get3A_174] : memref<3x9x128x128xf32, #tpu.memory_space<vmem>>, vector<1x1x128x128xf32>
    %get3A_176 = vector.shape_cast %get3A_175 : vector<1x1x128x128xf32> to vector<128x128xf32>
    %dot_general3A_177 = arith.constant dense<0.000000e+00> : vector<4608x128xf32>
    %dot_general3A_178 = tpu.matmul %slice3A_170, %get3A_176, %dot_general3A_177 {dimension_numbers = #tpu.dot_dimension_numbers<[1], [0], [0], [1], [0, 0, 1, 1], [], []>, transpose_lhs_hint = false} : vector<4608x128xf32>, vector<128x128xf32>, vector<4608x128xf32> -> vector<4608x128xf32>
    %add3A_179 = arith.addf %add3A_169, %dot_general3A_178 : vector<4608x128xf32>
    %slice3A_180 = vector.extract_strided_slice %mul3A_128 {offsets = [8, 0], sizes = [4608, 128], strides = [1, 1]} : vector<4624x128xf32> to vector<4608x128xf32>
    %get3A_181 = arith.constant 0 : index
    %get3A_182 = arith.constant 5 : index
    %get3A_183 = arith.constant 0 : index
    %get3A_184 = arith.constant 0 : index
    %get3A_185 = vector.load %arg3[%get3A_181, %get3A_182, %get3A_183, %get3A_184] : memref<3x9x128x128xf32, #tpu.memory_space<vmem>>, vector<1x1x128x128xf32>
    %get3A_186 = vector.shape_cast %get3A_185 : vector<1x1x128x128xf32> to vector<128x128xf32>
    %dot_general3A_187 = arith.constant dense<0.000000e+00> : vector<4608x128xf32>
    %dot_general3A_188 = tpu.matmul %slice3A_180, %get3A_186, %dot_general3A_187 {dimension_numbers = #tpu.dot_dimension_numbers<[1], [0], [0], [1], [0, 0, 1, 1], [], []>, transpose_lhs_hint = false} : vector<4608x128xf32>, vector<128x128xf32>, vector<4608x128xf32> -> vector<4608x128xf32>
    %add3A_189 = arith.addf %add3A_179, %dot_general3A_188 : vector<4608x128xf32>
    %slice3A_190 = vector.extract_strided_slice %mul3A_122 {offsets = [16, 0], sizes = [4608, 128], strides = [1, 1]} : vector<4624x128xf32> to vector<4608x128xf32>
    %get3A_191 = arith.constant 0 : index
    %get3A_192 = arith.constant 6 : index
    %get3A_193 = arith.constant 0 : index
    %get3A_194 = arith.constant 0 : index
    %get3A_195 = vector.load %arg3[%get3A_191, %get3A_192, %get3A_193, %get3A_194] : memref<3x9x128x128xf32, #tpu.memory_space<vmem>>, vector<1x1x128x128xf32>
    %get3A_196 = vector.shape_cast %get3A_195 : vector<1x1x128x128xf32> to vector<128x128xf32>
    %dot_general3A_197 = arith.constant dense<0.000000e+00> : vector<4608x128xf32>
    %dot_general3A_198 = tpu.matmul %slice3A_190, %get3A_196, %dot_general3A_197 {dimension_numbers = #tpu.dot_dimension_numbers<[1], [0], [0], [1], [0, 0, 1, 1], [], []>, transpose_lhs_hint = false} : vector<4608x128xf32>, vector<128x128xf32>, vector<4608x128xf32> -> vector<4608x128xf32>
    %add3A_199 = arith.addf %add3A_189, %dot_general3A_198 : vector<4608x128xf32>
    %slice3A_200 = vector.extract_strided_slice %mul3A_125 {offsets = [16, 0], sizes = [4608, 128], strides = [1, 1]} : vector<4624x128xf32> to vector<4608x128xf32>
    %get3A_201 = arith.constant 0 : index
    %get3A_202 = arith.constant 7 : index
    %get3A_203 = arith.constant 0 : index
    %get3A_204 = arith.constant 0 : index
    %get3A_205 = vector.load %arg3[%get3A_201, %get3A_202, %get3A_203, %get3A_204] : memref<3x9x128x128xf32, #tpu.memory_space<vmem>>, vector<1x1x128x128xf32>
    %get3A_206 = vector.shape_cast %get3A_205 : vector<1x1x128x128xf32> to vector<128x128xf32>
    %dot_general3A_207 = arith.constant dense<0.000000e+00> : vector<4608x128xf32>
    %dot_general3A_208 = tpu.matmul %slice3A_200, %get3A_206, %dot_general3A_207 {dimension_numbers = #tpu.dot_dimension_numbers<[1], [0], [0], [1], [0, 0, 1, 1], [], []>, transpose_lhs_hint = false} : vector<4608x128xf32>, vector<128x128xf32>, vector<4608x128xf32> -> vector<4608x128xf32>
    %add3A_209 = arith.addf %add3A_199, %dot_general3A_208 : vector<4608x128xf32>
    %slice3A_210 = vector.extract_strided_slice %mul3A_128 {offsets = [16, 0], sizes = [4608, 128], strides = [1, 1]} : vector<4624x128xf32> to vector<4608x128xf32>
    %get3A_211 = arith.constant 0 : index
    %get3A_212 = arith.constant 8 : index
    %get3A_213 = arith.constant 0 : index
    %get3A_214 = arith.constant 0 : index
    %get3A_215 = vector.load %arg3[%get3A_211, %get3A_212, %get3A_213, %get3A_214] : memref<3x9x128x128xf32, #tpu.memory_space<vmem>>, vector<1x1x128x128xf32>
    %get3A_216 = vector.shape_cast %get3A_215 : vector<1x1x128x128xf32> to vector<128x128xf32>
    %dot_general3A_217 = arith.constant dense<0.000000e+00> : vector<4608x128xf32>
    %dot_general3A_218 = tpu.matmul %slice3A_210, %get3A_216, %dot_general3A_217 {dimension_numbers = #tpu.dot_dimension_numbers<[1], [0], [0], [1], [0, 0, 1, 1], [], []>, transpose_lhs_hint = false} : vector<4608x128xf32>, vector<128x128xf32>, vector<4608x128xf32> -> vector<4608x128xf32>
    %add3A_219 = arith.addf %add3A_209, %dot_general3A_218 : vector<4608x128xf32>
    %get3A_220 = arith.constant 0 : index
    %get3A_221 = arith.constant 0 : index
    %get3A_222 = arith.constant 0 : index
    %get3A_223 = vector.load %arg4[%get3A_220, %get3A_221, %get3A_222] : memref<3x8x128xf32, #tpu.memory_space<vmem>>, vector<1x1x128xf32>
    %get3A_224 = vector.shape_cast %get3A_223 : vector<1x1x128xf32> to vector<1x128xf32>
    %add3A_225 = vector.broadcast %get3A_224 : vector<1x128xf32> to vector<4608x128xf32>
    %add3A_226 = arith.addf %add3A_219, %add3A_225 : vector<4608x128xf32>
    %max3A = arith.constant 0.000000e+00 : f32
    %max3A_227 = vector.broadcast %max3A : f32 to vector<4608x128xf32>
    %max3A_228 = arith.maximumf %add3A_226, %max3A_227 : vector<4608x128xf32>
    %broadcast_in_dim3A_229 = arith.constant 0.000000e+00 : f32
    %broadcast_in_dim3A_230 = vector.broadcast %broadcast_in_dim3A_229 : f32 to vector<16x128xf32>
    %concatenate3A_231 = tpu.concatenate %broadcast_in_dim3A_230, %max3A_228, %broadcast_in_dim3A_230 in 0 : vector<16x128xf32>, vector<4608x128xf32>, vector<16x128xf32> -> vector<4640x128xf32>
    %slice3A_232 = vector.extract_strided_slice %concatenate3A_231 {offsets = [7, 0], sizes = [4624, 128], strides = [1, 1]} : vector<4640x128xf32> to vector<4624x128xf32>
    %mul3A_233 = vector.broadcast %convert_element_type3A_84 : vector<4624x1xf32> to vector<4624x128xf32>
    %mul3A_234 = arith.mulf %slice3A_232, %mul3A_233 : vector<4624x128xf32>
    %slice3A_235 = vector.extract_strided_slice %concatenate3A_231 {offsets = [8, 0], sizes = [4624, 128], strides = [1, 1]} : vector<4640x128xf32> to vector<4624x128xf32>
    %mul3A_236 = vector.broadcast %convert_element_type3A_100 : vector<4624x1xf32> to vector<4624x128xf32>
    %mul3A_237 = arith.mulf %slice3A_235, %mul3A_236 : vector<4624x128xf32>
    %slice3A_238 = vector.extract_strided_slice %concatenate3A_231 {offsets = [9, 0], sizes = [4624, 128], strides = [1, 1]} : vector<4640x128xf32> to vector<4624x128xf32>
    %mul3A_239 = vector.broadcast %convert_element_type3A_116 : vector<4624x1xf32> to vector<4624x128xf32>
    %mul3A_240 = arith.mulf %slice3A_238, %mul3A_239 : vector<4624x128xf32>
    %broadcast_in_dim3A_241 = arith.constant 0.000000e+00 : f32
    %broadcast_in_dim3A_242 = vector.broadcast %broadcast_in_dim3A_241 : f32 to vector<4608x128xf32>
    %slice3A_243 = vector.extract_strided_slice %mul3A_234 {offsets = [0, 0], sizes = [4608, 128], strides = [1, 1]} : vector<4624x128xf32> to vector<4608x128xf32>
    %get3A_244 = arith.constant 1 : index
    %get3A_245 = arith.constant 0 : index
    %get3A_246 = arith.constant 0 : index
    %get3A_247 = arith.constant 0 : index
    %get3A_248 = vector.load %arg3[%get3A_244, %get3A_245, %get3A_246, %get3A_247] : memref<3x9x128x128xf32, #tpu.memory_space<vmem>>, vector<1x1x128x128xf32>
    %get3A_249 = vector.shape_cast %get3A_248 : vector<1x1x128x128xf32> to vector<128x128xf32>
    %dot_general3A_250 = arith.constant dense<0.000000e+00> : vector<4608x128xf32>
    %dot_general3A_251 = tpu.matmul %slice3A_243, %get3A_249, %dot_general3A_250 {dimension_numbers = #tpu.dot_dimension_numbers<[1], [0], [0], [1], [0, 0, 1, 1], [], []>, transpose_lhs_hint = false} : vector<4608x128xf32>, vector<128x128xf32>, vector<4608x128xf32> -> vector<4608x128xf32>
    %add3A_252 = arith.addf %broadcast_in_dim3A_242, %dot_general3A_251 : vector<4608x128xf32>
    %slice3A_253 = vector.extract_strided_slice %mul3A_237 {offsets = [0, 0], sizes = [4608, 128], strides = [1, 1]} : vector<4624x128xf32> to vector<4608x128xf32>
    %get3A_254 = arith.constant 1 : index
    %get3A_255 = arith.constant 1 : index
    %get3A_256 = arith.constant 0 : index
    %get3A_257 = arith.constant 0 : index
    %get3A_258 = vector.load %arg3[%get3A_254, %get3A_255, %get3A_256, %get3A_257] : memref<3x9x128x128xf32, #tpu.memory_space<vmem>>, vector<1x1x128x128xf32>
    %get3A_259 = vector.shape_cast %get3A_258 : vector<1x1x128x128xf32> to vector<128x128xf32>
    %dot_general3A_260 = arith.constant dense<0.000000e+00> : vector<4608x128xf32>
    %dot_general3A_261 = tpu.matmul %slice3A_253, %get3A_259, %dot_general3A_260 {dimension_numbers = #tpu.dot_dimension_numbers<[1], [0], [0], [1], [0, 0, 1, 1], [], []>, transpose_lhs_hint = false} : vector<4608x128xf32>, vector<128x128xf32>, vector<4608x128xf32> -> vector<4608x128xf32>
    %add3A_262 = arith.addf %add3A_252, %dot_general3A_261 : vector<4608x128xf32>
    %slice3A_263 = vector.extract_strided_slice %mul3A_240 {offsets = [0, 0], sizes = [4608, 128], strides = [1, 1]} : vector<4624x128xf32> to vector<4608x128xf32>
    %get3A_264 = arith.constant 1 : index
    %get3A_265 = arith.constant 2 : index
    %get3A_266 = arith.constant 0 : index
    %get3A_267 = arith.constant 0 : index
    %get3A_268 = vector.load %arg3[%get3A_264, %get3A_265, %get3A_266, %get3A_267] : memref<3x9x128x128xf32, #tpu.memory_space<vmem>>, vector<1x1x128x128xf32>
    %get3A_269 = vector.shape_cast %get3A_268 : vector<1x1x128x128xf32> to vector<128x128xf32>
    %dot_general3A_270 = arith.constant dense<0.000000e+00> : vector<4608x128xf32>
    %dot_general3A_271 = tpu.matmul %slice3A_263, %get3A_269, %dot_general3A_270 {dimension_numbers = #tpu.dot_dimension_numbers<[1], [0], [0], [1], [0, 0, 1, 1], [], []>, transpose_lhs_hint = false} : vector<4608x128xf32>, vector<128x128xf32>, vector<4608x128xf32> -> vector<4608x128xf32>
    %add3A_272 = arith.addf %add3A_262, %dot_general3A_271 : vector<4608x128xf32>
    %slice3A_273 = vector.extract_strided_slice %mul3A_234 {offsets = [8, 0], sizes = [4608, 128], strides = [1, 1]} : vector<4624x128xf32> to vector<4608x128xf32>
    %get3A_274 = arith.constant 1 : index
    %get3A_275 = arith.constant 3 : index
    %get3A_276 = arith.constant 0 : index
    %get3A_277 = arith.constant 0 : index
    %get3A_278 = vector.load %arg3[%get3A_274, %get3A_275, %get3A_276, %get3A_277] : memref<3x9x128x128xf32, #tpu.memory_space<vmem>>, vector<1x1x128x128xf32>
    %get3A_279 = vector.shape_cast %get3A_278 : vector<1x1x128x128xf32> to vector<128x128xf32>
    %dot_general3A_280 = arith.constant dense<0.000000e+00> : vector<4608x128xf32>
    %dot_general3A_281 = tpu.matmul %slice3A_273, %get3A_279, %dot_general3A_280 {dimension_numbers = #tpu.dot_dimension_numbers<[1], [0], [0], [1], [0, 0, 1, 1], [], []>, transpose_lhs_hint = false} : vector<4608x128xf32>, vector<128x128xf32>, vector<4608x128xf32> -> vector<4608x128xf32>
    %add3A_282 = arith.addf %add3A_272, %dot_general3A_281 : vector<4608x128xf32>
    %slice3A_283 = vector.extract_strided_slice %mul3A_237 {offsets = [8, 0], sizes = [4608, 128], strides = [1, 1]} : vector<4624x128xf32> to vector<4608x128xf32>
    %get3A_284 = arith.constant 1 : index
    %get3A_285 = arith.constant 4 : index
    %get3A_286 = arith.constant 0 : index
    %get3A_287 = arith.constant 0 : index
    %get3A_288 = vector.load %arg3[%get3A_284, %get3A_285, %get3A_286, %get3A_287] : memref<3x9x128x128xf32, #tpu.memory_space<vmem>>, vector<1x1x128x128xf32>
    %get3A_289 = vector.shape_cast %get3A_288 : vector<1x1x128x128xf32> to vector<128x128xf32>
    %dot_general3A_290 = arith.constant dense<0.000000e+00> : vector<4608x128xf32>
    %dot_general3A_291 = tpu.matmul %slice3A_283, %get3A_289, %dot_general3A_290 {dimension_numbers = #tpu.dot_dimension_numbers<[1], [0], [0], [1], [0, 0, 1, 1], [], []>, transpose_lhs_hint = false} : vector<4608x128xf32>, vector<128x128xf32>, vector<4608x128xf32> -> vector<4608x128xf32>
    %add3A_292 = arith.addf %add3A_282, %dot_general3A_291 : vector<4608x128xf32>
    %slice3A_293 = vector.extract_strided_slice %mul3A_240 {offsets = [8, 0], sizes = [4608, 128], strides = [1, 1]} : vector<4624x128xf32> to vector<4608x128xf32>
    %get3A_294 = arith.constant 1 : index
    %get3A_295 = arith.constant 5 : index
    %get3A_296 = arith.constant 0 : index
    %get3A_297 = arith.constant 0 : index
    %get3A_298 = vector.load %arg3[%get3A_294, %get3A_295, %get3A_296, %get3A_297] : memref<3x9x128x128xf32, #tpu.memory_space<vmem>>, vector<1x1x128x128xf32>
    %get3A_299 = vector.shape_cast %get3A_298 : vector<1x1x128x128xf32> to vector<128x128xf32>
    %dot_general3A_300 = arith.constant dense<0.000000e+00> : vector<4608x128xf32>
    %dot_general3A_301 = tpu.matmul %slice3A_293, %get3A_299, %dot_general3A_300 {dimension_numbers = #tpu.dot_dimension_numbers<[1], [0], [0], [1], [0, 0, 1, 1], [], []>, transpose_lhs_hint = false} : vector<4608x128xf32>, vector<128x128xf32>, vector<4608x128xf32> -> vector<4608x128xf32>
    %add3A_302 = arith.addf %add3A_292, %dot_general3A_301 : vector<4608x128xf32>
    %slice3A_303 = vector.extract_strided_slice %mul3A_234 {offsets = [16, 0], sizes = [4608, 128], strides = [1, 1]} : vector<4624x128xf32> to vector<4608x128xf32>
    %get3A_304 = arith.constant 1 : index
    %get3A_305 = arith.constant 6 : index
    %get3A_306 = arith.constant 0 : index
    %get3A_307 = arith.constant 0 : index
    %get3A_308 = vector.load %arg3[%get3A_304, %get3A_305, %get3A_306, %get3A_307] : memref<3x9x128x128xf32, #tpu.memory_space<vmem>>, vector<1x1x128x128xf32>
    %get3A_309 = vector.shape_cast %get3A_308 : vector<1x1x128x128xf32> to vector<128x128xf32>
    %dot_general3A_310 = arith.constant dense<0.000000e+00> : vector<4608x128xf32>
    %dot_general3A_311 = tpu.matmul %slice3A_303, %get3A_309, %dot_general3A_310 {dimension_numbers = #tpu.dot_dimension_numbers<[1], [0], [0], [1], [0, 0, 1, 1], [], []>, transpose_lhs_hint = false} : vector<4608x128xf32>, vector<128x128xf32>, vector<4608x128xf32> -> vector<4608x128xf32>
    %add3A_312 = arith.addf %add3A_302, %dot_general3A_311 : vector<4608x128xf32>
    %slice3A_313 = vector.extract_strided_slice %mul3A_237 {offsets = [16, 0], sizes = [4608, 128], strides = [1, 1]} : vector<4624x128xf32> to vector<4608x128xf32>
    %get3A_314 = arith.constant 1 : index
    %get3A_315 = arith.constant 7 : index
    %get3A_316 = arith.constant 0 : index
    %get3A_317 = arith.constant 0 : index
    %get3A_318 = vector.load %arg3[%get3A_314, %get3A_315, %get3A_316, %get3A_317] : memref<3x9x128x128xf32, #tpu.memory_space<vmem>>, vector<1x1x128x128xf32>
    %get3A_319 = vector.shape_cast %get3A_318 : vector<1x1x128x128xf32> to vector<128x128xf32>
    %dot_general3A_320 = arith.constant dense<0.000000e+00> : vector<4608x128xf32>
    %dot_general3A_321 = tpu.matmul %slice3A_313, %get3A_319, %dot_general3A_320 {dimension_numbers = #tpu.dot_dimension_numbers<[1], [0], [0], [1], [0, 0, 1, 1], [], []>, transpose_lhs_hint = false} : vector<4608x128xf32>, vector<128x128xf32>, vector<4608x128xf32> -> vector<4608x128xf32>
    %add3A_322 = arith.addf %add3A_312, %dot_general3A_321 : vector<4608x128xf32>
    %slice3A_323 = vector.extract_strided_slice %mul3A_240 {offsets = [16, 0], sizes = [4608, 128], strides = [1, 1]} : vector<4624x128xf32> to vector<4608x128xf32>
    %get3A_324 = arith.constant 1 : index
    %get3A_325 = arith.constant 8 : index
    %get3A_326 = arith.constant 0 : index
    %get3A_327 = arith.constant 0 : index
    %get3A_328 = vector.load %arg3[%get3A_324, %get3A_325, %get3A_326, %get3A_327] : memref<3x9x128x128xf32, #tpu.memory_space<vmem>>, vector<1x1x128x128xf32>
    %get3A_329 = vector.shape_cast %get3A_328 : vector<1x1x128x128xf32> to vector<128x128xf32>
    %dot_general3A_330 = arith.constant dense<0.000000e+00> : vector<4608x128xf32>
    %dot_general3A_331 = tpu.matmul %slice3A_323, %get3A_329, %dot_general3A_330 {dimension_numbers = #tpu.dot_dimension_numbers<[1], [0], [0], [1], [0, 0, 1, 1], [], []>, transpose_lhs_hint = false} : vector<4608x128xf32>, vector<128x128xf32>, vector<4608x128xf32> -> vector<4608x128xf32>
    %add3A_332 = arith.addf %add3A_322, %dot_general3A_331 : vector<4608x128xf32>
    %get3A_333 = arith.constant 1 : index
    %get3A_334 = arith.constant 0 : index
    %get3A_335 = arith.constant 0 : index
    %get3A_336 = vector.load %arg4[%get3A_333, %get3A_334, %get3A_335] : memref<3x8x128xf32, #tpu.memory_space<vmem>>, vector<1x1x128xf32>
    %get3A_337 = vector.shape_cast %get3A_336 : vector<1x1x128xf32> to vector<1x128xf32>
    %add3A_338 = vector.broadcast %get3A_337 : vector<1x128xf32> to vector<4608x128xf32>
    %add3A_339 = arith.addf %add3A_332, %add3A_338 : vector<4608x128xf32>
    %max3A_340 = arith.constant 0.000000e+00 : f32
    %max3A_341 = vector.broadcast %max3A_340 : f32 to vector<4608x128xf32>
    %max3A_342 = arith.maximumf %add3A_339, %max3A_341 : vector<4608x128xf32>
    %broadcast_in_dim3A_343 = arith.constant 0.000000e+00 : f32
    %broadcast_in_dim3A_344 = vector.broadcast %broadcast_in_dim3A_343 : f32 to vector<16x128xf32>
    %concatenate3A_345 = tpu.concatenate %broadcast_in_dim3A_344, %max3A_342, %broadcast_in_dim3A_344 in 0 : vector<16x128xf32>, vector<4608x128xf32>, vector<16x128xf32> -> vector<4640x128xf32>
    %slice3A_346 = vector.extract_strided_slice %concatenate3A_345 {offsets = [7, 0], sizes = [4624, 128], strides = [1, 1]} : vector<4640x128xf32> to vector<4624x128xf32>
    %mul3A_347 = vector.broadcast %convert_element_type3A_84 : vector<4624x1xf32> to vector<4624x128xf32>
    %mul3A_348 = arith.mulf %slice3A_346, %mul3A_347 : vector<4624x128xf32>
    %slice3A_349 = vector.extract_strided_slice %concatenate3A_345 {offsets = [8, 0], sizes = [4624, 128], strides = [1, 1]} : vector<4640x128xf32> to vector<4624x128xf32>
    %mul3A_350 = vector.broadcast %convert_element_type3A_100 : vector<4624x1xf32> to vector<4624x128xf32>
    %mul3A_351 = arith.mulf %slice3A_349, %mul3A_350 : vector<4624x128xf32>
    %slice3A_352 = vector.extract_strided_slice %concatenate3A_345 {offsets = [9, 0], sizes = [4624, 128], strides = [1, 1]} : vector<4640x128xf32> to vector<4624x128xf32>
    %mul3A_353 = vector.broadcast %convert_element_type3A_116 : vector<4624x1xf32> to vector<4624x128xf32>
    %mul3A_354 = arith.mulf %slice3A_352, %mul3A_353 : vector<4624x128xf32>
    %broadcast_in_dim3A_355 = arith.constant 0.000000e+00 : f32
    %broadcast_in_dim3A_356 = vector.broadcast %broadcast_in_dim3A_355 : f32 to vector<4608x128xf32>
    %slice3A_357 = vector.extract_strided_slice %mul3A_348 {offsets = [0, 0], sizes = [4608, 128], strides = [1, 1]} : vector<4624x128xf32> to vector<4608x128xf32>
    %get3A_358 = arith.constant 2 : index
    %get3A_359 = arith.constant 0 : index
    %get3A_360 = arith.constant 0 : index
    %get3A_361 = arith.constant 0 : index
    %get3A_362 = vector.load %arg3[%get3A_358, %get3A_359, %get3A_360, %get3A_361] : memref<3x9x128x128xf32, #tpu.memory_space<vmem>>, vector<1x1x128x128xf32>
    %get3A_363 = vector.shape_cast %get3A_362 : vector<1x1x128x128xf32> to vector<128x128xf32>
    %dot_general3A_364 = arith.constant dense<0.000000e+00> : vector<4608x128xf32>
    %dot_general3A_365 = tpu.matmul %slice3A_357, %get3A_363, %dot_general3A_364 {dimension_numbers = #tpu.dot_dimension_numbers<[1], [0], [0], [1], [0, 0, 1, 1], [], []>, transpose_lhs_hint = false} : vector<4608x128xf32>, vector<128x128xf32>, vector<4608x128xf32> -> vector<4608x128xf32>
    %add3A_366 = arith.addf %broadcast_in_dim3A_356, %dot_general3A_365 : vector<4608x128xf32>
    %slice3A_367 = vector.extract_strided_slice %mul3A_351 {offsets = [0, 0], sizes = [4608, 128], strides = [1, 1]} : vector<4624x128xf32> to vector<4608x128xf32>
    %get3A_368 = arith.constant 2 : index
    %get3A_369 = arith.constant 1 : index
    %get3A_370 = arith.constant 0 : index
    %get3A_371 = arith.constant 0 : index
    %get3A_372 = vector.load %arg3[%get3A_368, %get3A_369, %get3A_370, %get3A_371] : memref<3x9x128x128xf32, #tpu.memory_space<vmem>>, vector<1x1x128x128xf32>
    %get3A_373 = vector.shape_cast %get3A_372 : vector<1x1x128x128xf32> to vector<128x128xf32>
    %dot_general3A_374 = arith.constant dense<0.000000e+00> : vector<4608x128xf32>
    %dot_general3A_375 = tpu.matmul %slice3A_367, %get3A_373, %dot_general3A_374 {dimension_numbers = #tpu.dot_dimension_numbers<[1], [0], [0], [1], [0, 0, 1, 1], [], []>, transpose_lhs_hint = false} : vector<4608x128xf32>, vector<128x128xf32>, vector<4608x128xf32> -> vector<4608x128xf32>
    %add3A_376 = arith.addf %add3A_366, %dot_general3A_375 : vector<4608x128xf32>
    %slice3A_377 = vector.extract_strided_slice %mul3A_354 {offsets = [0, 0], sizes = [4608, 128], strides = [1, 1]} : vector<4624x128xf32> to vector<4608x128xf32>
    %get3A_378 = arith.constant 2 : index
    %get3A_379 = arith.constant 2 : index
    %get3A_380 = arith.constant 0 : index
    %get3A_381 = arith.constant 0 : index
    %get3A_382 = vector.load %arg3[%get3A_378, %get3A_379, %get3A_380, %get3A_381] : memref<3x9x128x128xf32, #tpu.memory_space<vmem>>, vector<1x1x128x128xf32>
    %get3A_383 = vector.shape_cast %get3A_382 : vector<1x1x128x128xf32> to vector<128x128xf32>
    %dot_general3A_384 = arith.constant dense<0.000000e+00> : vector<4608x128xf32>
    %dot_general3A_385 = tpu.matmul %slice3A_377, %get3A_383, %dot_general3A_384 {dimension_numbers = #tpu.dot_dimension_numbers<[1], [0], [0], [1], [0, 0, 1, 1], [], []>, transpose_lhs_hint = false} : vector<4608x128xf32>, vector<128x128xf32>, vector<4608x128xf32> -> vector<4608x128xf32>
    %add3A_386 = arith.addf %add3A_376, %dot_general3A_385 : vector<4608x128xf32>
    %slice3A_387 = vector.extract_strided_slice %mul3A_348 {offsets = [8, 0], sizes = [4608, 128], strides = [1, 1]} : vector<4624x128xf32> to vector<4608x128xf32>
    %get3A_388 = arith.constant 2 : index
    %get3A_389 = arith.constant 3 : index
    %get3A_390 = arith.constant 0 : index
    %get3A_391 = arith.constant 0 : index
    %get3A_392 = vector.load %arg3[%get3A_388, %get3A_389, %get3A_390, %get3A_391] : memref<3x9x128x128xf32, #tpu.memory_space<vmem>>, vector<1x1x128x128xf32>
    %get3A_393 = vector.shape_cast %get3A_392 : vector<1x1x128x128xf32> to vector<128x128xf32>
    %dot_general3A_394 = arith.constant dense<0.000000e+00> : vector<4608x128xf32>
    %dot_general3A_395 = tpu.matmul %slice3A_387, %get3A_393, %dot_general3A_394 {dimension_numbers = #tpu.dot_dimension_numbers<[1], [0], [0], [1], [0, 0, 1, 1], [], []>, transpose_lhs_hint = false} : vector<4608x128xf32>, vector<128x128xf32>, vector<4608x128xf32> -> vector<4608x128xf32>
    %add3A_396 = arith.addf %add3A_386, %dot_general3A_395 : vector<4608x128xf32>
    %slice3A_397 = vector.extract_strided_slice %mul3A_351 {offsets = [8, 0], sizes = [4608, 128], strides = [1, 1]} : vector<4624x128xf32> to vector<4608x128xf32>
    %get3A_398 = arith.constant 2 : index
    %get3A_399 = arith.constant 4 : index
    %get3A_400 = arith.constant 0 : index
    %get3A_401 = arith.constant 0 : index
    %get3A_402 = vector.load %arg3[%get3A_398, %get3A_399, %get3A_400, %get3A_401] : memref<3x9x128x128xf32, #tpu.memory_space<vmem>>, vector<1x1x128x128xf32>
    %get3A_403 = vector.shape_cast %get3A_402 : vector<1x1x128x128xf32> to vector<128x128xf32>
    %dot_general3A_404 = arith.constant dense<0.000000e+00> : vector<4608x128xf32>
    %dot_general3A_405 = tpu.matmul %slice3A_397, %get3A_403, %dot_general3A_404 {dimension_numbers = #tpu.dot_dimension_numbers<[1], [0], [0], [1], [0, 0, 1, 1], [], []>, transpose_lhs_hint = false} : vector<4608x128xf32>, vector<128x128xf32>, vector<4608x128xf32> -> vector<4608x128xf32>
    %add3A_406 = arith.addf %add3A_396, %dot_general3A_405 : vector<4608x128xf32>
    %slice3A_407 = vector.extract_strided_slice %mul3A_354 {offsets = [8, 0], sizes = [4608, 128], strides = [1, 1]} : vector<4624x128xf32> to vector<4608x128xf32>
    %get3A_408 = arith.constant 2 : index
    %get3A_409 = arith.constant 5 : index
    %get3A_410 = arith.constant 0 : index
    %get3A_411 = arith.constant 0 : index
    %get3A_412 = vector.load %arg3[%get3A_408, %get3A_409, %get3A_410, %get3A_411] : memref<3x9x128x128xf32, #tpu.memory_space<vmem>>, vector<1x1x128x128xf32>
    %get3A_413 = vector.shape_cast %get3A_412 : vector<1x1x128x128xf32> to vector<128x128xf32>
    %dot_general3A_414 = arith.constant dense<0.000000e+00> : vector<4608x128xf32>
    %dot_general3A_415 = tpu.matmul %slice3A_407, %get3A_413, %dot_general3A_414 {dimension_numbers = #tpu.dot_dimension_numbers<[1], [0], [0], [1], [0, 0, 1, 1], [], []>, transpose_lhs_hint = false} : vector<4608x128xf32>, vector<128x128xf32>, vector<4608x128xf32> -> vector<4608x128xf32>
    %add3A_416 = arith.addf %add3A_406, %dot_general3A_415 : vector<4608x128xf32>
    %slice3A_417 = vector.extract_strided_slice %mul3A_348 {offsets = [16, 0], sizes = [4608, 128], strides = [1, 1]} : vector<4624x128xf32> to vector<4608x128xf32>
    %get3A_418 = arith.constant 2 : index
    %get3A_419 = arith.constant 6 : index
    %get3A_420 = arith.constant 0 : index
    %get3A_421 = arith.constant 0 : index
    %get3A_422 = vector.load %arg3[%get3A_418, %get3A_419, %get3A_420, %get3A_421] : memref<3x9x128x128xf32, #tpu.memory_space<vmem>>, vector<1x1x128x128xf32>
    %get3A_423 = vector.shape_cast %get3A_422 : vector<1x1x128x128xf32> to vector<128x128xf32>
    %dot_general3A_424 = arith.constant dense<0.000000e+00> : vector<4608x128xf32>
    %dot_general3A_425 = tpu.matmul %slice3A_417, %get3A_423, %dot_general3A_424 {dimension_numbers = #tpu.dot_dimension_numbers<[1], [0], [0], [1], [0, 0, 1, 1], [], []>, transpose_lhs_hint = false} : vector<4608x128xf32>, vector<128x128xf32>, vector<4608x128xf32> -> vector<4608x128xf32>
    %add3A_426 = arith.addf %add3A_416, %dot_general3A_425 : vector<4608x128xf32>
    %slice3A_427 = vector.extract_strided_slice %mul3A_351 {offsets = [16, 0], sizes = [4608, 128], strides = [1, 1]} : vector<4624x128xf32> to vector<4608x128xf32>
    %get3A_428 = arith.constant 2 : index
    %get3A_429 = arith.constant 7 : index
    %get3A_430 = arith.constant 0 : index
    %get3A_431 = arith.constant 0 : index
    %get3A_432 = vector.load %arg3[%get3A_428, %get3A_429, %get3A_430, %get3A_431] : memref<3x9x128x128xf32, #tpu.memory_space<vmem>>, vector<1x1x128x128xf32>
    %get3A_433 = vector.shape_cast %get3A_432 : vector<1x1x128x128xf32> to vector<128x128xf32>
    %dot_general3A_434 = arith.constant dense<0.000000e+00> : vector<4608x128xf32>
    %dot_general3A_435 = tpu.matmul %slice3A_427, %get3A_433, %dot_general3A_434 {dimension_numbers = #tpu.dot_dimension_numbers<[1], [0], [0], [1], [0, 0, 1, 1], [], []>, transpose_lhs_hint = false} : vector<4608x128xf32>, vector<128x128xf32>, vector<4608x128xf32> -> vector<4608x128xf32>
    %add3A_436 = arith.addf %add3A_426, %dot_general3A_435 : vector<4608x128xf32>
    %slice3A_437 = vector.extract_strided_slice %mul3A_354 {offsets = [16, 0], sizes = [4608, 128], strides = [1, 1]} : vector<4624x128xf32> to vector<4608x128xf32>
    %get3A_438 = arith.constant 2 : index
    %get3A_439 = arith.constant 8 : index
    %get3A_440 = arith.constant 0 : index
    %get3A_441 = arith.constant 0 : index
    %get3A_442 = vector.load %arg3[%get3A_438, %get3A_439, %get3A_440, %get3A_441] : memref<3x9x128x128xf32, #tpu.memory_space<vmem>>, vector<1x1x128x128xf32>
    %get3A_443 = vector.shape_cast %get3A_442 : vector<1x1x128x128xf32> to vector<128x128xf32>
    %dot_general3A_444 = arith.constant dense<0.000000e+00> : vector<4608x128xf32>
    %dot_general3A_445 = tpu.matmul %slice3A_437, %get3A_443, %dot_general3A_444 {dimension_numbers = #tpu.dot_dimension_numbers<[1], [0], [0], [1], [0, 0, 1, 1], [], []>, transpose_lhs_hint = false} : vector<4608x128xf32>, vector<128x128xf32>, vector<4608x128xf32> -> vector<4608x128xf32>
    %add3A_446 = arith.addf %add3A_436, %dot_general3A_445 : vector<4608x128xf32>
    %get3A_447 = arith.constant 2 : index
    %get3A_448 = arith.constant 0 : index
    %get3A_449 = arith.constant 0 : index
    %get3A_450 = vector.load %arg4[%get3A_447, %get3A_448, %get3A_449] : memref<3x8x128xf32, #tpu.memory_space<vmem>>, vector<1x1x128xf32>
    %get3A_451 = vector.shape_cast %get3A_450 : vector<1x1x128xf32> to vector<1x128xf32>
    %add3A_452 = vector.broadcast %get3A_451 : vector<1x128xf32> to vector<4608x128xf32>
    %add3A_453 = arith.addf %add3A_446, %add3A_452 : vector<4608x128xf32>
    %max3A_454 = arith.constant 0.000000e+00 : f32
    %max3A_455 = vector.broadcast %max3A_454 : f32 to vector<4608x128xf32>
    %max3A_456 = arith.maximumf %add3A_453, %max3A_455 : vector<4608x128xf32>
    %reshape3A_457 = vector.shape_cast %max3A_456 : vector<4608x128xf32> to vector<64x72x128xf32>
    %slice3A_458 = vector.extract_strided_slice %reshape3A_457 {offsets = [0, 0, 0], sizes = [64, 64, 128], strides = [1, 1, 1]} : vector<64x72x128xf32> to vector<64x64x128xf32>
    %reshape3A_459 = vector.shape_cast %slice3A_458 : vector<64x64x128xf32> to vector<4096x128xf32>
    %get3A_460 = arith.constant 0 : index
    %get3A_461 = arith.constant 0 : index
    %get3A_462 = vector.load %arg1[%get3A_460, %get3A_461] : memref<4096x128xf32, #tpu.memory_space<vmem>>, vector<4096x128xf32>
    %add3A_463 = arith.addf %reshape3A_459, %get3A_462 : vector<4096x128xf32>
    %swap3A = arith.constant 0 : index
    %swap3A_464 = arith.constant 0 : index
    %swap3A_465 = vector.load %arg5[%swap3A, %swap3A_464] : memref<4096x128xf32, #tpu.memory_space<vmem>>, vector<4096x128xf32>
    tpu.vector_store %arg5[%swap3A, %swap3A_464], %add3A_463 {strides = array<i32>} : memref<4096x128xf32, #tpu.memory_space<vmem>>, vector<4096x128xf32>,
    return
  }
  func.func @transform_0(%arg0: i32) -> (i32, i32) {
    %c0_i32 = arith.constant 0 : i32
    %c0_i32_0 = arith.constant 0 : i32
    return %arg0, %c0_i32 : i32, i32
  }
  func.func @transform_1(%arg0: i32) -> (i32, i32) {
    %c0_i32 = arith.constant 0 : i32
    %c0_i32_0 = arith.constant 0 : i32
    return %arg0, %c0_i32 : i32, i32
  }
  func.func @transform_2(%arg0: i32) -> (i32, i32, i32, i32) {
    %c0_i32 = arith.constant 0 : i32
    %c0_i32_0 = arith.constant 0 : i32
    %c0_i32_1 = arith.constant 0 : i32
    %c0_i32_2 = arith.constant 0 : i32
    %c0_i32_3 = arith.constant 0 : i32
    return %c0_i32, %c0_i32_0, %c0_i32_1, %c0_i32_2 : i32, i32, i32, i32
  }
  func.func @transform_3(%arg0: i32) -> (i32, i32, i32) {
    %c0_i32 = arith.constant 0 : i32
    %c0_i32_0 = arith.constant 0 : i32
    %c0_i32_1 = arith.constant 0 : i32
    %c0_i32_2 = arith.constant 0 : i32
    return %c0_i32, %c0_i32_0, %c0_i32_1 : i32, i32, i32
  }
  func.func @transform_4(%arg0: i32) -> (i32, i32) {
    %c0_i32 = arith.constant 0 : i32
    %c0_i32_0 = arith.constant 0 : i32
    return %arg0, %c0_i32 : i32, i32
  }
}

</mosaic_0001>

<sc_bundles>
// kernel: kernel.5.cloned.1.call-start
scs
__scs_entry_jumppad:
0x0: {  	(pc) =	sbr.rel $0x88, $3  }
0x1: {  	(tag) =	ssettag $0x0;
	lr =	simm.s32 $0x1  }
0x2: {  	[smem:$0x3F97] =	sst lr;
	_ =	strace $0xD0000000  }
0x3: {  	_ = 	snop  }
0x4: {  	_ = 	snop  }
0x5: {  	_ = 	snop  }
0x6: {  	_ = 	snop  }
0x7: {  	_ = 	snop  }
__scs_overlays_trampoline_lowered:
0x8: {  	[smem:$0x3FA6] =	sst s0  }
0x9: {  	[smem:$0x3FA7] =	sst s1  }
0xa: {  	[smem:$0x3FA8] =	sst s2  }
0xb: {  	[smem:$0x3FA9] =	sst s3  }
0xc: {  	[smem:$0x3FAA] =	sst s4  }
0xd: {  	[smem:$0x3FAB] =	sst s5  }
0xe: {  	[smem:$0x3FAC] =	sst s6  }
0xf: {  	[smem:$0x3FAD] =	sst s7  }
0x10: {  	[smem:$0x3FAE] =	sst s8  }
0x11: {  	[smem:$0x3FAF] =	sst s9;
	s0 =	simm.s32 @!p0 $0x0  }
0x12: {  	s1 =	sld [smem:$0x3F95];
	s0 =	simm.s32 @p0 $0x1  }
0x13: {  	[smem:$0x3FB0] =	sst s0;
	s0 =	simm.s32 @!p1 $0x0  }
0x14: {  	s2 =	sld [smem:$0x3F94];
	s0 =	simm.s32 @p1 $0x1  }
0x15: {  	[smem:$0x3FB1] =	sst s0;
	s0 =	simm.s32 @!p2 $0x0  }
0x16: {  	s3 =	sld [smem:$0x3FDB];
	s0 =	simm.s32 @p2 $0x1  }
0x17: {  	s4 =	simm.s32 $0x1BF5;
	[smem:$0x3FB3] =	sst s0  }
0x18: {  	s0 =	sld [smem:$0x3F96];
	_ =	swait.ge [sflag:s4], $0x0  }
0x19: {  	s7 =	sld [smem:$0x3F97]  }
0x1a: {  	s8 =	sadd.s32 $0xFFFFE003, lr  }
0x1b: {  	s9 =	sadd.s32 $0xFFFFFEF7, lr;
	s5 =	simm.s32 $0xFFFFFFFF;
	p2 =	slt.u32 s8, $0xFFFFF086  }
0x1c: {  	p1 =	slt.u32 s9, $0xF7A;
	s5 =	simm.s32 @!p2 $0x0  }
0x1d: {  	s5 =	simm.s32 @p1 $0x1;
	p0 =	seq.s32 s7, s2  }
0x1e: {  	s7 =	smul.u32 @!p0 $0xF7A, s2;
	p2 =	seq.s32 @!p0 s5, $0x0  }
0x1f: {  	s9 =	smul.u32 $0xF7A, s1;
	s8 =	simm.s32 @!p0 $0x1BF5;
	p2 =	por !p2, p0  }
0x20: {  	[sflag:s8] =	ssyncset.s32 @!p0 $0xFFFFF086;
	s6 =	sadd.s32 @!p0 s3, s7;
	s7 =	simm.s32 @!p0 $0x108  }
0x21: {  	s3 =	sadd.s32 s3, s9;
	s6 =	sadd.s32 @!p0 $0x88, s6;
	s7 =	simm.s32 @p2 $0x1082  }
0x22: {  	[simem:s7], [sflag:s8] =	dma.local @!p0 [hbm:s6], $0xF7A  }
0x23: {  	s9 =	sor.u32 $0xD0000000, s2;
	s6 =	simm.s32 $0x108;
	_ =	swait.ge @!p0 [sflag:s8], $0x0  }
0x24: {  	s3 =	sadd.s32 $0x88, s3;
	s6 =	simm.s32 @!p1 $0x1082;
	[sflag:s4] =	ssyncset.s32 $0xFFFFF086  }
0x25: {  	[simem:s6], [sflag:s4] =	dma.local [hbm:s3], $0xF7A  }
0x26: {  	[smem:$0x3F97] =	sst s1;
	(tag) =	ssettag s2;
	_ =	strace s9  }
0x27: {  	s1 =	sld [smem:$0x3FA7]  }
0x28: {  	s2 =	sld [smem:$0x3FA8]  }
0x29: {  	s4 =	sld [smem:$0x3FAA]  }
0x2a: {  	p0 =	seq.s32 s5, $0x0;
	s5 =	sld [smem:$0x3FAB]  }
0x2b: {  	s6 =	sld [smem:$0x3FAC]  }
0x2c: {  	s7 =	sld [smem:$0x3FAD]  }
0x2d: {  	s3 =	simm.s32 $0x108;
	s8 =	sld [smem:$0x3FAE]  }
0x2e: {  	s3 =	simm.s32 @!p0 $0x1082;
	s9 =	sld [smem:$0x3FAF]  }
0x2f: {  	lr =	sadd.s32 s0, s3;
	s0 =	sld [smem:$0x3FA6]  }
0x30: {  	s3 =	sld [smem:$0x3FA9]  }
0x31: {  	[smem:$0x3FB2] =	sst s10  }
0x32: {  	s10 =	sld [smem:$0x3FB0];
	_ =	sdelay $0x3  }
0x33: {  	p0 =	seq.s32 s10, $0x1;
	s10 =	sld [smem:$0x3FB2];
	_ =	sdelay $0x3  }
0x34: {  	[smem:$0x3FB2] =	sst s10  }
0x35: {  	s10 =	sld [smem:$0x3FB1];
	_ =	sdelay $0x3  }
0x36: {  	p1 =	seq.s32 s10, $0x1;
	s10 =	sld [smem:$0x3FB2];
	_ =	sdelay $0x3  }
0x37: {  	[smem:$0x3FB2] =	sst s10  }
0x38: {  	s10 =	sld [smem:$0x3FB3]  }
0x39: {  	_ = 	snop;
	(pc) =	sbr.ind lr, $3  }
0x3a: {  	_ = 	snop  }
0x3b: {  	_ = 	snop  }
0x3c: {  	p2 =	seq.s32 s10, $0x1;
	s10 =	sld [smem:$0x3FB2]  }
0x3d: {  	_ =	shalt  }
0x3e: {  	_ =	shalt  }
0x3f: {  	_ =	shalt  }
0x40: {  	_ =	shalt  }
0x41: {  	_ =	shalt  }
0x42: {  	_ =	shalt  }
0x43: {  	_ =	shalt  }
0x44: {  	_ =	shalt  }
0x45: {  	_ =	shalt  }
0x46: {  	_ =	shalt  }
0x47: {  	_ =	shalt  }
0x48: {  	_ =	shalt  }
0x49: {  	_ =	shalt  }
0x4a: {  	_ =	shalt  }
0x4b: {  	_ =	shalt  }
0x4c: {  	_ =	shalt  }
0x4d: {  	_ =	shalt  }
0x4e: {  	_ =	shalt  }
0x4f: {  	_ =	shalt  }
0x50: {  	_ =	shalt  }
0x51: {  	_ =	shalt  }
0x52: {  	_ =	shalt  }
0x53: {  	_ =	shalt  }
0x54: {  	_ =	shalt  }
0x55: {  	_ =	shalt  }
0x56: {  	_ =	shalt  }
0x57: {  	_ =	shalt  }
0x58: {  	_ =	shalt  }
0x59: {  	_ =	shalt  }
0x5a: {  	_ =	shalt  }
0x5b: {  	_ =	shalt  }
0x5c: {  	_ =	shalt  }
0x5d: {  	_ =	shalt  }
0x5e: {  	_ =	shalt  }
0x5f: {  	_ =	shalt  }
0x60: {  	_ =	shalt  }
0x61: {  	_ =	shalt  }
0x62: {  	_ =	shalt  }
0x63: {  	_ =	shalt  }
0x64: {  	_ =	shalt  }
0x65: {  	_ =	shalt  }
0x66: {  	_ =	shalt  }
0x67: {  	_ =	shalt  }
0x68: {  	_ =	shalt  }
0x69: {  	_ =	shalt  }
0x6a: {  	_ =	shalt  }
0x6b: {  	_ =	shalt  }
0x6c: {  	_ =	shalt  }
0x6d: {  	_ =	shalt  }
0x6e: {  	_ =	shalt  }
0x6f: {  	_ =	shalt  }
0x70: {  	_ =	shalt  }
0x71: {  	_ =	shalt  }
0x72: {  	_ =	shalt  }
0x73: {  	_ =	shalt  }
0x74: {  	_ =	shalt  }
0x75: {  	_ =	shalt  }
0x76: {  	_ =	shalt  }
0x77: {  	_ =	shalt  }
0x78: {  	_ =	shalt  }
0x79: {  	_ =	shalt  }
0x7a: {  	_ =	shalt  }
0x7b: {  	_ =	shalt  }
0x7c: {  	_ =	shalt  }
0x7d: {  	_ =	shalt  }
0x7e: {  	_ =	shalt  }
0x7f: {  	_ =	shalt  }
0x80: {  	_ =	shalt  }
0x81: {  	_ =	shalt  }
0x82: {  	_ =	shalt  }
0x83: {  	_ =	shalt  }
0x84: {  	_ =	shalt  }
0x85: {  	_ =	shalt  }
0x86: {  	_ =	shalt  }
0x87: {  	_ =	shalt  }
.Lfunc_end0:
.L_simem_size_0:
called_computation_lowered:
.L_overlay_start_0:
0x88: {  	s2 =	sld [smem:$0x3FD9]  }
0x89: {  	s3 =	sld [smem:$0x3FFE];
	_ =	sdelay $0x1  }
0x8a: {  	s1 =	srdreg.scid  }
0x8b: {  	s0 =	sand.u32 $0x1, s1  }
0x8c: {  	s16 =	sshll.u32 s0, $0xA;
	s2 =	sadd.s32 s3, s2  }
0x8d: {  	s2 =	sadd.s32 s2, s16  }
0x8e: {  	[smem:$0x3FBE] =	sst s2  }
0x8f: {  	_ = 	snop  }
0x90: {  	(tm) =	ssettm $0x1  }
0x91: {  	s17 =	sld [smem:$0x3FFB];
	_ =	sdelay $0x3  }
0x92: {  	_ =	strace s17  }
0x93: {  	s2 =	sld [smem:$0x3FFC];
	_ =	sdelay $0x3  }
0x94: {  	_ =	strace s2  }
0x95: {  	s2 =	sld [smem:$0x3FFD];
	_ =	sdelay $0x3  }
0x96: {  	_ =	strace s2  }
0x97: {  	_ =	strace $0x8FFFFFFF  }
0x98: {  	s18 =	sld [smem:$0x3FDB];
	_ =	sdelay $0x1  }
0x99: {  	s19 =	simm.s32 $_scs_section_size  }
0x9a: {  	s4 =	simm.s32 $_size__tile_overlayer_lowered;
	s5 =	simm.s32 $_tile_overlayer_lowered  }
0x9b: {  	s22 =	simm.s32 $0x1BFF;
	s21 =	sshll.u32 s5, $0x1;
	s2 =	sadd.s32 s19, s18  }
0x9c: {  	s6 =	simm.s32 $0x0;
	s20 =	sshll.u32 s4, $0x1;
	s4 =	sadd.s32 s21, s2  }
0x9d: {  	[timem:s6], [sflag:s22] =	dma.local [hbm:s4], s20  }
0x9e: {  	_ =	swait.ge [sflag:s22], s20  }
0x9f: {  	s3 =	ssub.s32 $0x0, s20;
	[sflag:s22] =	ssyncset.done $0x0  }
0xa0: {  	[sflag:s22] =	ssyncadd.s32 s3;
	_ =	sdelay $0x1  }
0xa1: {  	s23 =	simm.s32 $0x1B8B  }
0xa2: {  	_ =	swait.ge [sflag:s23], $0x1  }
0xa3: {  	[sflag:s23] =	ssyncset.done $0x0  }
0xa4: {  	s25 =	simm.s32 $0x1B8E;
	s24 =	sld [smem:$0x3FFE];
	[sflag:s23] =	ssyncadd.s32 $0xFFFFFFFF  }
0xa5: {  	s26 =	simm.s32 $execute0_lowered;
	[smem:$0x3FD2] =	sst s25  }
0xa6: {  	s4 =	sshll.u32 s26, $0x1;
	_ =	strace $0x80000046;
	[dreg:$0x1] =	wrdreg $0xFFFFFFFF  }
0xa7: {  	s28 =	simm.s32 $_size_execute0_lowered;
	s2 =	sadd.s32 s2, s4;
	[dreg:$0x0] =	wrdreg $0x0  }
0xa8: {  	s4 =	sshll.u32 s28, $0x1;
	[dreg:$0x2] =	wrdreg s2  }
0xa9: {  	[dreg:$0x3] =	wrdreg s4  }
0xaa: {  	[dreg:$0x4] =	wrdreg $0xC0  }
0xab: {  	_ =	task [dreg:s6], $0x5FFFF  }
0xac: {  	[dreg:$0x1] =	wrdreg $0xFFFFFFFF  }
0xad: {  	[dreg:$0x0] =	wrdreg $0x60  }
0xae: {  	[dreg:$0x2] =	wrdreg s24  }
0xaf: {  	[dreg:$0x3] =	wrdreg $0x9  }
0xb0: {  	_ =	task.clear_ibuf [dreg:s6], $0x4FFFF;
	_ =	strace $0x90000046  }
0xb1: {  	s29 =	simm.s32 $0x9;
	_ =	strace $0x80000048  }
0xb2: {  	_ =	swait.ge [sflag:s29], $0x1  }
0xb3: {  	[sflag:s29] =	ssyncadd.s32 $0xFFFFFFFF  }
0xb4: {  	_ =	strace $0x90000048  }
0xb5: {  	_ =	sfence  }
0xb6: {  	s30 =	sld [smem:$0x0];
	_ =	sdelay $0x2  }
0xb7: {  	s31 =	sshll.u32 s1, $0xD;
	s1 =	sshrl.u32 s1, $0x2  }
0xb8: {  	s3 =	sand.u32 $0x4000, s31;
	s1 =	sadd.s32 s1, s30  }
0xb9: {  	s0 =	sor.u32 s3, s0;
	s1 =	sshll.u32 s1, $0x11  }
0xba: {  	s0 =	sor.u32 s1, s0  }
0xbb: {  	s0 =	sadd.s32 $0x8F2B, s0  }
0xbc: {  	[sflag:s0] =	ssyncadd.remote.s32 $0x1  }
0xbd: {  	_ =	sfence.sel $0xFFFF  }
0xbe: {  	[dreg:$0x0] =	wrdreg $0xFFFFFFFF;
	(pc) =	sbr.abs _section_cstart, $3  }
0xbf: {  	[dreg:$0x1] =	wrdreg $0xFFFFFFFF  }
0xc0: {  	_ =	task.clear_ibuf [dreg:s6], $0x2FFFF;
	_ =	strace $0x9FFFFFFF  }
0xc1: {  	(tm) =	ssettm $0x7FFFFFFF  }
tec
execute0_lowered:
.L_overlay_start_1:
0x0: {  	(tag) =	ssettag $0x1  }
0x1: {  	s0 =	rddreg [dreg:$0x0]  }
0x2: {  	s1 =	srdreg.scid;
	s3 =	stileid.u32;
	s2 =	simm.s32 $0x0  }
0x3: {  	s14 =	simm.s32 $0x1;
	s16 =	simm.s32 $0xA00;
	s17 =	simm.s32 $0x1200  }
0x4: {  	s18 =	simm.s32 $0x1A00;
	s19 =	simm.s32 $0x2200;
	s20 =	simm.s32 $0x2A00  }
0x5: {  	s21 =	simm.s32 $0x3200;
	s22 =	simm.s32 $0x3A00;
	s23 =	simm.s32 $0x4200  }
0x6: {  	s24 =	simm.s32 $0x4A00;
	s28 =	simm.s32 $0x6200;
	s29 =	simm.s32 $0x6A00  }
0x7: {  	s30 =	simm.s32 $0x7200;
	s31 =	simm.s32 $0x7A00;
	s9 =	simm.s32 $0x9A00  }
0x8: {  	s10 =	simm.s32 $0xA200;
	s11 =	simm.s32 $0xAA00;
	s12 =	simm.s32 $0xB200  }
0x9: {  	s13 =	simm.s32 $0xBA00;
	s1 =	sand.u32 $0x1, s1;
	s3 =	sshll.u32 s3, $0x1  }
0xa: {  	[smem:$0x7FF] =	sst s2;
	s7 =	sadd.s32 $0x14200, s0;
	s4 =	sor.u32 s1, s3  }
0xb: {  	_ =	strace $0x80000047;
	s3 =	sadd.s32 $0x2A00, s0;
	s1 =	ssub.s32 $0x2, s1  }
0xc: {  	s5 =	sshll.u32 s4, $0x6;
	s6 =	smul.u32 $0x30000, s4;
	s8 =	sshrl.u32 s1, $0x1  }
0xd: {  	s4 =	smul.u32 $0x6000, s4;
	s5 =	sadd.s32 s5, s0;
	s1 =	ssub.s32 s1, s8  }
0xe: {  	s8 =	simm.s32 $0x9200;
	s5 =	sadd.s32 $0x13A00, s5;
	s6 =	sshrl.u32 s6, $0x3  }
0xf: {  	s4 =	sadd.s32 s7, s4;
	[dreg:$0x2] =	wrdreg s5;
	s25 =	sadd.s32 s7, s6  }
0x10: {  	[dreg:$0x3] =	wrdreg s4;
	s4 =	sadd.s32 $0x2B00, s0;
	s5 =	smax.u32 s1, $0x1  }
0x11: {  	v2 =	vlaneseq.u32;
	s0 =	simm.s32 $0x200;
	s7 =	simm.s32 $0xC200;
	s6 =	sadd.s32 $0x2000, s25  }
0x12: {  	vm0 =	vmmov $0xffff;
	v1 =	vshrl.u32 v2, $0x3;
	s26 =	sadd.s32 $0x4000, s25;
	s25 =	simm.s32 $0x5200;
	[dreg:$0x4] =	wrdreg s6  }
0x13: {  	v0 =	vand.u32 $0x7, v2;
	v2 =	vor.u32 $0x8, v2;
	v1 =	vmul.u32 $0x8, v1;
	[dreg:$0x5] =	wrdreg s26;
	s6 =	simm.s32 $0x2;
	s26 =	simm.s32 $0x5A00  }
.LBB2_1:
0x14: {  	s15 =	rddreg [dreg:$0x2]  }
0x15: {  	[tilespmem:s2], [sflag:$0x2] =	stream.linear.gather [hbm4b:s15+s2], $0x180, $0x38;
	[tilespmem:$0x10200] =	vst v63  }
0x16: {  	_ =	swait.ge [sflag:s6], $0x180  }
0x17: {  	[sflag:s6] =	ssyncset.done $0x0  }
0x18: {  	[sflag:s6] =	ssyncadd.s32 $0xFFFFFE80  }
0x19: {  	v3 =	vld [tilespmem:$0x0];
	_ =	sdelay $0x4  }
0x1a: {  	v4 =	vshll.u32 v3, $0x2  }
0x1b: {  	v3 =	vand.u32 $0x7, v3;
	v4 =	vand.u32 $0xFFFFFFE0, v4  }
0x1c: {  	v3 =	vor.u32 v3, v4  }
0x1d: {  	v4 =	vperm.xlane v3, v0;
	_ =	sdelay $0x1  }
0x1e: {  	v4 =	vadd.s32 v1, v4;
	_ =	sdelay $0x1  }
0x1f: {  	v3 =	vperm.xlane v3, v2;
	_ =	sdelay $0x1  }
0x20: {  	v3 =	vadd.s32 v1, v3  }
0x21: {  	[tilespmem:s0], [sflag:$0x1] =	stream.indirect_vreg.gather [hbm4b:s3+s2], $0x80, v4, vm0, $0xb8;
	[tilespmem:$0x10200] =	vst v63  }
0x22: {  	_ = 	snop  }
0x23: {  	[tilespmem:s16], [sflag:$0x1] =	stream.indirect_vreg.gather [hbm4b:s4+s2], $0x80, v4, vm0, $0xb8;
	[tilespmem:$0x10200] =	vst v63  }
0x24: {  	_ = 	snop  }
0x25: {  	[tilespmem:s17], [sflag:$0x1] =	stream.indirect_vreg.gather [hbm4b:s3+s2], $0x80, v3, vm0, $0xb8;
	[tilespmem:$0x10200] =	vst v63  }
0x26: {  	_ = 	snop  }
0x27: {  	[tilespmem:s18], [sflag:$0x1] =	stream.indirect_vreg.gather [hbm4b:s4+s2], $0x80, v3, vm0, $0xb8;
	[tilespmem:$0x10200] =	vst v63  }
0x28: {  	v3 =	vld [tilespmem:$0x10];
	_ =	sdelay $0x4  }
0x29: {  	v41 =	vshll.u32 v3, $0x2  }
0x2a: {  	v3 =	vand.u32 $0x7, v3;
	v4 =	vand.u32 $0xFFFFFFE0, v41  }
0x2b: {  	v3 =	vor.u32 v3, v4  }
0x2c: {  	v4 =	vperm.xlane v3, v0;
	_ =	sdelay $0x1  }
0x2d: {  	v4 =	vadd.s32 v1, v4;
	_ =	sdelay $0x1  }
0x2e: {  	v3 =	vperm.xlane v3, v2;
	_ =	sdelay $0x1  }
0x2f: {  	v3 =	vadd.s32 v1, v3  }
0x30: {  	[tilespmem:s19], [sflag:$0x1] =	stream.indirect_vreg.gather [hbm4b:s3+s2], $0x80, v4, vm0, $0xb8;
	[tilespmem:$0x10200] =	vst v63  }
0x31: {  	_ = 	snop  }
0x32: {  	[tilespmem:s20], [sflag:$0x1] =	stream.indirect_vreg.gather [hbm4b:s4+s2], $0x80, v4, vm0, $0xb8;
	[tilespmem:$0x10200] =	vst v63  }
0x33: {  	_ = 	snop  }
0x34: {  	[tilespmem:s21], [sflag:$0x1] =	stream.indirect_vreg.gather [hbm4b:s3+s2], $0x80, v3, vm0, $0xb8;
	[tilespmem:$0x10200] =	vst v63  }
0x35: {  	_ = 	snop  }
0x36: {  	[tilespmem:s22], [sflag:$0x1] =	stream.indirect_vreg.gather [hbm4b:s4+s2], $0x80, v3, vm0, $0xb8;
	[tilespmem:$0x10200] =	vst v63  }
0x37: {  	v3 =	vld [tilespmem:$0x20];
	_ =	sdelay $0x4  }
0x38: {  	v42 =	vshll.u32 v3, $0x2  }
0x39: {  	v3 =	vand.u32 $0x7, v3;
	v4 =	vand.u32 $0xFFFFFFE0, v42  }
0x3a: {  	v3 =	vor.u32 v3, v4  }
0x3b: {  	v4 =	vperm.xlane v3, v0;
	_ =	sdelay $0x1  }
0x3c: {  	v4 =	vadd.s32 v1, v4;
	_ =	sdelay $0x1  }
0x3d: {  	v3 =	vperm.xlane v3, v2;
	_ =	sdelay $0x1  }
0x3e: {  	v3 =	vadd.s32 v1, v3  }
0x3f: {  	[tilespmem:s23], [sflag:$0x1] =	stream.indirect_vreg.gather [hbm4b:s3+s2], $0x80, v4, vm0, $0xb8;
	[tilespmem:$0x10200] =	vst v63  }
0x40: {  	_ = 	snop  }
0x41: {  	[tilespmem:s24], [sflag:$0x1] =	stream.indirect_vreg.gather [hbm4b:s4+s2], $0x80, v4, vm0, $0xb8;
	[tilespmem:$0x10200] =	vst v63  }
0x42: {  	_ = 	snop  }
0x43: {  	[tilespmem:s25], [sflag:$0x1] =	stream.indirect_vreg.gather [hbm4b:s3+s2], $0x80, v3, vm0, $0xb8;
	[tilespmem:$0x10200] =	vst v63  }
0x44: {  	_ = 	snop  }
0x45: {  	[tilespmem:s26], [sflag:$0x1] =	stream.indirect_vreg.gather [hbm4b:s4+s2], $0x80, v3, vm0, $0xb8;
	[tilespmem:$0x10200] =	vst v63  }
0x46: {  	v3 =	vld [tilespmem:$0x30];
	_ =	sdelay $0x4  }
0x47: {  	v43 =	vshll.u32 v3, $0x2  }
0x48: {  	v3 =	vand.u32 $0x7, v3;
	v4 =	vand.u32 $0xFFFFFFE0, v43  }
0x49: {  	v3 =	vor.u32 v3, v4  }
0x4a: {  	v4 =	vperm.xlane v3, v0;
	_ =	sdelay $0x1  }
0x4b: {  	v4 =	vadd.s32 v1, v4;
	_ =	sdelay $0x1  }
0x4c: {  	v3 =	vperm.xlane v3, v2;
	_ =	sdelay $0x1  }
0x4d: {  	v3 =	vadd.s32 v1, v3  }
0x4e: {  	[tilespmem:s28], [sflag:$0x1] =	stream.indirect_vreg.gather [hbm4b:s3+s2], $0x80, v4, vm0, $0xb8;
	[tilespmem:$0x10200] =	vst v63  }
0x4f: {  	_ = 	snop  }
0x50: {  	[tilespmem:s29], [sflag:$0x1] =	stream.indirect_vreg.gather [hbm4b:s4+s2], $0x80, v4, vm0, $0xb8;
	[tilespmem:$0x10200] =	vst v63  }
0x51: {  	_ = 	snop  }
0x52: {  	[tilespmem:s30], [sflag:$0x1] =	stream.indirect_vreg.gather [hbm4b:s3+s2], $0x80, v3, vm0, $0xb8;
	[tilespmem:$0x10200] =	vst v63  }
0x53: {  	_ = 	snop  }
0x54: {  	[tilespmem:s31], [sflag:$0x1] =	stream.indirect_vreg.gather [hbm4b:s4+s2], $0x80, v3, vm0, $0xb8;
	[tilespmem:$0x10200] =	vst v63  }
0x55: {  	v3 =	vld [tilespmem:$0x40];
	_ =	sdelay $0x4  }
0x56: {  	v44 =	vshll.u32 v3, $0x2  }
0x57: {  	v3 =	vand.u32 $0x7, v3;
	v4 =	vand.u32 $0xFFFFFFE0, v44  }
0x58: {  	v3 =	vor.u32 v3, v4  }
0x59: {  	v4 =	vperm.xlane v3, v0;
	_ =	sdelay $0x1  }
0x5a: {  	v4 =	vadd.s32 v1, v4;
	_ =	sdelay $0x1  }
0x5b: {  	v3 =	vperm.xlane v3, v2;
	_ =	sdelay $0x1  }
0x5c: {  	s1 =	simm.s32 $0x8200;
	v3 =	vadd.s32 v1, v3  }
0x5d: {  	[tilespmem:s1], [sflag:$0x1] =	stream.indirect_vreg.gather [hbm4b:s3+s2], $0x80, v4, vm0, $0xb8;
	[tilespmem:$0x10200] =	vst v63  }
0x5e: {  	s1 =	simm.s32 $0x8A00  }
0x5f: {  	[tilespmem:s1], [sflag:$0x1] =	stream.indirect_vreg.gather [hbm4b:s4+s2], $0x80, v4, vm0, $0xb8;
	[tilespmem:$0x10200] =	vst v63  }
0x60: {  	_ = 	snop  }
0x61: {  	[tilespmem:s8], [sflag:$0x1] =	stream.indirect_vreg.gather [hbm4b:s3+s2], $0x80, v3, vm0, $0xb8;
	[tilespmem:$0x10200] =	vst v63  }
0x62: {  	_ = 	snop  }
0x63: {  	[tilespmem:s9], [sflag:$0x1] =	stream.indirect_vreg.gather [hbm4b:s4+s2], $0x80, v3, vm0, $0xb8;
	[tilespmem:$0x10200] =	vst v63  }
0x64: {  	v3 =	vld [tilespmem:$0x50];
	_ =	sdelay $0x4  }
0x65: {  	v45 =	vshll.u32 v3, $0x2  }
0x66: {  	v3 =	vand.u32 $0x7, v3;
	v4 =	vand.u32 $0xFFFFFFE0, v45  }
0x67: {  	v3 =	vor.u32 v3, v4  }
0x68: {  	v4 =	vperm.xlane v3, v0;
	_ =	sdelay $0x1  }
0x69: {  	v4 =	vadd.s32 v1, v4;
	_ =	sdelay $0x1  }
0x6a: {  	v3 =	vperm.xlane v3, v2;
	_ =	sdelay $0x1  }
0x6b: {  	v3 =	vadd.s32 v1, v3  }
0x6c: {  	[tilespmem:s10], [sflag:$0x1] =	stream.indirect_vreg.gather [hbm4b:s3+s2], $0x80, v4, vm0, $0xb8;
	[tilespmem:$0x10200] =	vst v63  }
0x6d: {  	_ = 	snop  }
0x6e: {  	[tilespmem:s11], [sflag:$0x1] =	stream.indirect_vreg.gather [hbm4b:s4+s2], $0x80, v4, vm0, $0xb8;
	[tilespmem:$0x10200] =	vst v63  }
0x6f: {  	_ = 	snop  }
0x70: {  	[tilespmem:s12], [sflag:$0x1] =	stream.indirect_vreg.gather [hbm4b:s3+s2], $0x80, v3, vm0, $0xb8;
	[tilespmem:$0x10200] =	vst v63  }
0x71: {  	_ = 	snop  }
0x72: {  	[tilespmem:s13], [sflag:$0x1] =	stream.indirect_vreg.gather [hbm4b:s4+s2], $0x80, v3, vm0, $0xb8;
	[tilespmem:$0x10200] =	vst v63  }
0x73: {  	v3 =	vld [tilespmem:$0x60];
	_ =	sdelay $0x4  }
0x74: {  	v46 =	vshll.u32 v3, $0x2  }
0x75: {  	v3 =	vand.u32 $0x7, v3;
	v4 =	vand.u32 $0xFFFFFFE0, v46  }
0x76: {  	v3 =	vor.u32 v3, v4  }
0x77: {  	v4 =	vperm.xlane v3, v0;
	_ =	sdelay $0x1  }
0x78: {  	v4 =	vadd.s32 v1, v4;
	_ =	sdelay $0x1  }
0x79: {  	v3 =	vperm.xlane v3, v2;
	_ =	sdelay $0x1  }
0x7a: {  	v3 =	vadd.s32 v1, v3  }
0x7b: {  	[tilespmem:s7], [sflag:$0x1] =	stream.indirect_vreg.gather [hbm4b:s3+s2], $0x80, v4, vm0, $0xb8;
	[tilespmem:$0x10200] =	vst v63  }
0x7c: {  	s15 =	simm.s32 $0xCA00  }
0x7d: {  	[tilespmem:s15], [sflag:$0x1] =	stream.indirect_vreg.gather [hbm4b:s4+s2], $0x80, v4, vm0, $0xb8;
	[tilespmem:$0x10200] =	vst v63  }
0x7e: {  	s15 =	simm.s32 $0xD200  }
0x7f: {  	[tilespmem:s15], [sflag:$0x1] =	stream.indirect_vreg.gather [hbm4b:s3+s2], $0x80, v3, vm0, $0xb8;
	[tilespmem:$0x10200] =	vst v63  }
0x80: {  	s15 =	simm.s32 $0xDA00  }
0x81: {  	[tilespmem:s15], [sflag:$0x1] =	stream.indirect_vreg.gather [hbm4b:s4+s2], $0x80, v3, vm0, $0xb8;
	[tilespmem:$0x10200] =	vst v63  }
0x82: {  	v3 =	vld [tilespmem:$0x70];
	_ =	sdelay $0x4  }
0x83: {  	v47 =	vshll.u32 v3, $0x2  }
0x84: {  	v3 =	vand.u32 $0x7, v3;
	v4 =	vand.u32 $0xFFFFFFE0, v47  }
0x85: {  	v3 =	vor.u32 v3, v4  }
0x86: {  	v4 =	vperm.xlane v3, v0;
	_ =	sdelay $0x1  }
0x87: {  	v4 =	vadd.s32 v1, v4;
	_ =	sdelay $0x1  }
0x88: {  	v3 =	vperm.xlane v3, v2;
	_ =	sdelay $0x1  }
0x89: {  	s15 =	simm.s32 $0xE200;
	v3 =	vadd.s32 v1, v3  }
0x8a: {  	[tilespmem:s15], [sflag:$0x1] =	stream.indirect_vreg.gather [hbm4b:s3+s2], $0x80, v4, vm0, $0xb8;
	[tilespmem:$0x10200] =	vst v63  }
0x8b: {  	s15 =	simm.s32 $0xEA00  }
0x8c: {  	[tilespmem:s15], [sflag:$0x1] =	stream.indirect_vreg.gather [hbm4b:s4+s2], $0x80, v4, vm0, $0xb8;
	[tilespmem:$0x10200] =	vst v63  }
0x8d: {  	s15 =	simm.s32 $0xF200  }
0x8e: {  	[tilespmem:s15], [sflag:$0x1] =	stream.indirect_vreg.gather [hbm4b:s3+s2], $0x80, v3, vm0, $0xb8;
	[tilespmem:$0x10200] =	vst v63  }
0x8f: {  	s15 =	simm.s32 $0xFA00  }
0x90: {  	[tilespmem:s15], [sflag:$0x1] =	stream.indirect_vreg.gather [hbm4b:s4+s2], $0x80, v3, vm0, $0xb8;
	[tilespmem:$0x10200] =	vst v63  }
0x91: {  	_ =	swait.ge [sflag:s14], $0x10000  }
0x92: {  	[sflag:s14] =	ssyncset.done $0x0  }
0x93: {  	s15 =	rddreg [dreg:$0x3];
	[sflag:s14] =	ssyncadd.s32 $0xFFFF0000  }
0x94: {  	[hbm4b:s15+s2] =	stream.linear.scatter [tilespmem:s0], [sflag:$0x2], $0x10000, $0x38;
	[tilespmem:$0x10200] =	vst v63  }
0x95: {  	_ =	swait.ge [sflag:s6], $0x10000  }
0x96: {  	[sflag:s6] =	ssyncset.done $0x0  }
0x97: {  	[sflag:s6] =	ssyncadd.s32 $0xFFFF0000  }
0x98: {  	v3 =	vld [tilespmem:$0x80];
	_ =	sdelay $0x4  }
0x99: {  	v48 =	vshll.u32 v3, $0x2  }
0x9a: {  	v3 =	vand.u32 $0x7, v3;
	v4 =	vand.u32 $0xFFFFFFE0, v48  }
0x9b: {  	v3 =	vor.u32 v3, v4  }
0x9c: {  	v4 =	vperm.xlane v3, v0;
	_ =	sdelay $0x1  }
0x9d: {  	v4 =	vadd.s32 v1, v4;
	_ =	sdelay $0x1  }
0x9e: {  	v3 =	vperm.xlane v3, v2;
	_ =	sdelay $0x1  }
0x9f: {  	v3 =	vadd.s32 v1, v3  }
0xa0: {  	[tilespmem:s0], [sflag:$0x1] =	stream.indirect_vreg.gather [hbm4b:s3+s2], $0x80, v4, vm0, $0xb8;
	[tilespmem:$0x10200] =	vst v63  }
0xa1: {  	_ = 	snop  }
0xa2: {  	[tilespmem:s16], [sflag:$0x1] =	stream.indirect_vreg.gather [hbm4b:s4+s2], $0x80, v4, vm0, $0xb8;
	[tilespmem:$0x10200] =	vst v63  }
0xa3: {  	_ = 	snop  }
0xa4: {  	[tilespmem:s17], [sflag:$0x1] =	stream.indirect_vreg.gather [hbm4b:s3+s2], $0x80, v3, vm0, $0xb8;
	[tilespmem:$0x10200] =	vst v63  }
0xa5: {  	_ = 	snop  }
0xa6: {  	[tilespmem:s18], [sflag:$0x1] =	stream.indirect_vreg.gather [hbm4b:s4+s2], $0x80, v3, vm0, $0xb8;
	[tilespmem:$0x10200] =	vst v63  }
0xa7: {  	v3 =	vld [tilespmem:$0x90];
	_ =	sdelay $0x4  }
0xa8: {  	v49 =	vshll.u32 v3, $0x2  }
0xa9: {  	v3 =	vand.u32 $0x7, v3;
	v4 =	vand.u32 $0xFFFFFFE0, v49  }
0xaa: {  	v3 =	vor.u32 v3, v4  }
0xab: {  	v4 =	vperm.xlane v3, v0;
	_ =	sdelay $0x1  }
0xac: {  	v4 =	vadd.s32 v1, v4;
	_ =	sdelay $0x1  }
0xad: {  	v3 =	vperm.xlane v3, v2;
	_ =	sdelay $0x1  }
0xae: {  	v3 =	vadd.s32 v1, v3  }
0xaf: {  	[tilespmem:s19], [sflag:$0x1] =	stream.indirect_vreg.gather [hbm4b:s3+s2], $0x80, v4, vm0, $0xb8;
	[tilespmem:$0x10200] =	vst v63  }
0xb0: {  	_ = 	snop  }
0xb1: {  	[tilespmem:s20], [sflag:$0x1] =	stream.indirect_vreg.gather [hbm4b:s4+s2], $0x80, v4, vm0, $0xb8;
	[tilespmem:$0x10200] =	vst v63  }
0xb2: {  	_ = 	snop  }
0xb3: {  	[tilespmem:s21], [sflag:$0x1] =	stream.indirect_vreg.gather [hbm4b:s3+s2], $0x80, v3, vm0, $0xb8;
	[tilespmem:$0x10200] =	vst v63  }
0xb4: {  	_ = 	snop  }
0xb5: {  	[tilespmem:s22], [sflag:$0x1] =	stream.indirect_vreg.gather [hbm4b:s4+s2], $0x80, v3, vm0, $0xb8;
	[tilespmem:$0x10200] =	vst v63  }
0xb6: {  	v3 =	vld [tilespmem:$0xA0];
	_ =	sdelay $0x4  }
0xb7: {  	v50 =	vshll.u32 v3, $0x2  }
0xb8: {  	v3 =	vand.u32 $0x7, v3;
	v4 =	vand.u32 $0xFFFFFFE0, v50  }
0xb9: {  	v3 =	vor.u32 v3, v4  }
0xba: {  	v4 =	vperm.xlane v3, v0;
	_ =	sdelay $0x1  }
0xbb: {  	v4 =	vadd.s32 v1, v4;
	_ =	sdelay $0x1  }
0xbc: {  	v3 =	vperm.xlane v3, v2;
	_ =	sdelay $0x1  }
0xbd: {  	v3 =	vadd.s32 v1, v3  }
0xbe: {  	[tilespmem:s23], [sflag:$0x1] =	stream.indirect_vreg.gather [hbm4b:s3+s2], $0x80, v4, vm0, $0xb8;
	[tilespmem:$0x10200] =	vst v63  }
0xbf: {  	_ = 	snop  }
0xc0: {  	[tilespmem:s24], [sflag:$0x1] =	stream.indirect_vreg.gather [hbm4b:s4+s2], $0x80, v4, vm0, $0xb8;
	[tilespmem:$0x10200] =	vst v63  }
0xc1: {  	_ = 	snop  }
0xc2: {  	[tilespmem:s25], [sflag:$0x1] =	stream.indirect_vreg.gather [hbm4b:s3+s2], $0x80, v3, vm0, $0xb8;
	[tilespmem:$0x10200] =	vst v63  }
0xc3: {  	_ = 	snop  }
0xc4: {  	[tilespmem:s26], [sflag:$0x1] =	stream.indirect_vreg.gather [hbm4b:s4+s2], $0x80, v3, vm0, $0xb8;
	[tilespmem:$0x10200] =	vst v63  }
0xc5: {  	v3 =	vld [tilespmem:$0xB0];
	_ =	sdelay $0x4  }
0xc6: {  	v51 =	vshll.u32 v3, $0x2  }
0xc7: {  	v3 =	vand.u32 $0x7, v3;
	v4 =	vand.u32 $0xFFFFFFE0, v51  }
0xc8: {  	v3 =	vor.u32 v3, v4  }
0xc9: {  	v4 =	vperm.xlane v3, v0;
	_ =	sdelay $0x1  }
0xca: {  	v4 =	vadd.s32 v1, v4;
	_ =	sdelay $0x1  }
0xcb: {  	v3 =	vperm.xlane v3, v2;
	_ =	sdelay $0x1  }
0xcc: {  	v3 =	vadd.s32 v1, v3  }
0xcd: {  	[tilespmem:s28], [sflag:$0x1] =	stream.indirect_vreg.gather [hbm4b:s3+s2], $0x80, v4, vm0, $0xb8;
	[tilespmem:$0x10200] =	vst v63  }
0xce: {  	_ = 	snop  }
0xcf: {  	[tilespmem:s29], [sflag:$0x1] =	stream.indirect_vreg.gather [hbm4b:s4+s2], $0x80, v4, vm0, $0xb8;
	[tilespmem:$0x10200] =	vst v63  }
0xd0: {  	_ = 	snop  }
0xd1: {  	[tilespmem:s30], [sflag:$0x1] =	stream.indirect_vreg.gather [hbm4b:s3+s2], $0x80, v3, vm0, $0xb8;
	[tilespmem:$0x10200] =	vst v63  }
0xd2: {  	_ = 	snop  }
0xd3: {  	[tilespmem:s31], [sflag:$0x1] =	stream.indirect_vreg.gather [hbm4b:s4+s2], $0x80, v3, vm0, $0xb8;
	[tilespmem:$0x10200] =	vst v63  }
0xd4: {  	v3 =	vld [tilespmem:$0xC0];
	_ =	sdelay $0x4  }
0xd5: {  	v52 =	vshll.u32 v3, $0x2  }
0xd6: {  	v3 =	vand.u32 $0x7, v3;
	v4 =	vand.u32 $0xFFFFFFE0, v52  }
0xd7: {  	v3 =	vor.u32 v3, v4  }
0xd8: {  	v4 =	vperm.xlane v3, v0;
	_ =	sdelay $0x1  }
0xd9: {  	v4 =	vadd.s32 v1, v4;
	_ =	sdelay $0x1  }
0xda: {  	v3 =	vperm.xlane v3, v2;
	_ =	sdelay $0x1  }
0xdb: {  	s15 =	simm.s32 $0x8200;
	v3 =	vadd.s32 v1, v3  }
0xdc: {  	[tilespmem:s15], [sflag:$0x1] =	stream.indirect_vreg.gather [hbm4b:s3+s2], $0x80, v4, vm0, $0xb8;
	[tilespmem:$0x10200] =	vst v63  }
0xdd: {  	_ = 	snop  }
0xde: {  	[tilespmem:s1], [sflag:$0x1] =	stream.indirect_vreg.gather [hbm4b:s4+s2], $0x80, v4, vm0, $0xb8;
	[tilespmem:$0x10200] =	vst v63  }
0xdf: {  	_ = 	snop  }
0xe0: {  	[tilespmem:s8], [sflag:$0x1] =	stream.indirect_vreg.gather [hbm4b:s3+s2], $0x80, v3, vm0, $0xb8;
	[tilespmem:$0x10200] =	vst v63  }
0xe1: {  	_ = 	snop  }
0xe2: {  	[tilespmem:s9], [sflag:$0x1] =	stream.indirect_vreg.gather [hbm4b:s4+s2], $0x80, v3, vm0, $0xb8;
	[tilespmem:$0x10200] =	vst v63  }
0xe3: {  	v3 =	vld [tilespmem:$0xD0];
	_ =	sdelay $0x4  }
0xe4: {  	v53 =	vshll.u32 v3, $0x2  }
0xe5: {  	v3 =	vand.u32 $0x7, v3;
	v4 =	vand.u32 $0xFFFFFFE0, v53  }
0xe6: {  	v3 =	vor.u32 v3, v4  }
0xe7: {  	v4 =	vperm.xlane v3, v0;
	_ =	sdelay $0x1  }
0xe8: {  	v4 =	vadd.s32 v1, v4;
	_ =	sdelay $0x1  }
0xe9: {  	v3 =	vperm.xlane v3, v2;
	_ =	sdelay $0x1  }
0xea: {  	v3 =	vadd.s32 v1, v3  }
0xeb: {  	[tilespmem:s10], [sflag:$0x1] =	stream.indirect_vreg.gather [hbm4b:s3+s2], $0x80, v4, vm0, $0xb8;
	[tilespmem:$0x10200] =	vst v63  }
0xec: {  	_ = 	snop  }
0xed: {  	[tilespmem:s11], [sflag:$0x1] =	stream.indirect_vreg.gather [hbm4b:s4+s2], $0x80, v4, vm0, $0xb8;
	[tilespmem:$0x10200] =	vst v63  }
0xee: {  	_ = 	snop  }
0xef: {  	[tilespmem:s12], [sflag:$0x1] =	stream.indirect_vreg.gather [hbm4b:s3+s2], $0x80, v3, vm0, $0xb8;
	[tilespmem:$0x10200] =	vst v63  }
0xf0: {  	_ = 	snop  }
0xf1: {  	[tilespmem:s13], [sflag:$0x1] =	stream.indirect_vreg.gather [hbm4b:s4+s2], $0x80, v3, vm0, $0xb8;
	[tilespmem:$0x10200] =	vst v63  }
0xf2: {  	v3 =	vld [tilespmem:$0xE0];
	_ =	sdelay $0x4  }
0xf3: {  	v54 =	vshll.u32 v3, $0x2  }
0xf4: {  	v3 =	vand.u32 $0x7, v3;
	v4 =	vand.u32 $0xFFFFFFE0, v54  }
0xf5: {  	v3 =	vor.u32 v3, v4  }
0xf6: {  	v4 =	vperm.xlane v3, v0;
	_ =	sdelay $0x1  }
0xf7: {  	v4 =	vadd.s32 v1, v4;
	_ =	sdelay $0x1  }
0xf8: {  	v3 =	vperm.xlane v3, v2;
	_ =	sdelay $0x1  }
0xf9: {  	v3 =	vadd.s32 v1, v3  }
0xfa: {  	[tilespmem:s7], [sflag:$0x1] =	stream.indirect_vreg.gather [hbm4b:s3+s2], $0x80, v4, vm0, $0xb8;
	[tilespmem:$0x10200] =	vst v63  }
0xfb: {  	s15 =	simm.s32 $0xCA00  }
0xfc: {  	[tilespmem:s15], [sflag:$0x1] =	stream.indirect_vreg.gather [hbm4b:s4+s2], $0x80, v4, vm0, $0xb8;
	[tilespmem:$0x10200] =	vst v63  }
0xfd: {  	s15 =	simm.s32 $0xD200  }
0xfe: {  	[tilespmem:s15], [sflag:$0x1] =	stream.indirect_vreg.gather [hbm4b:s3+s2], $0x80, v3, vm0, $0xb8;
	[tilespmem:$0x10200] =	vst v63  }
0xff: {  	s15 =	simm.s32 $0xDA00  }
0x100: {  	[tilespmem:s15], [sflag:$0x1] =	stream.indirect_vreg.gather [hbm4b:s4+s2], $0x80, v3, vm0, $0xb8;
	[tilespmem:$0x10200] =	vst v63  }
0x101: {  	v3 =	vld [tilespmem:$0xF0];
	_ =	sdelay $0x4  }
0x102: {  	v55 =	vshll.u32 v3, $0x2  }
0x103: {  	v3 =	vand.u32 $0x7, v3;
	v4 =	vand.u32 $0xFFFFFFE0, v55  }
0x104: {  	v3 =	vor.u32 v3, v4  }
0x105: {  	v4 =	vperm.xlane v3, v0;
	_ =	sdelay $0x1  }
0x106: {  	v4 =	vadd.s32 v1, v4;
	_ =	sdelay $0x1  }
0x107: {  	v3 =	vperm.xlane v3, v2;
	_ =	sdelay $0x1  }
0x108: {  	s15 =	simm.s32 $0xE200;
	v3 =	vadd.s32 v1, v3  }
0x109: {  	[tilespmem:s15], [sflag:$0x1] =	stream.indirect_vreg.gather [hbm4b:s3+s2], $0x80, v4, vm0, $0xb8;
	[tilespmem:$0x10200] =	vst v63  }
0x10a: {  	s15 =	simm.s32 $0xEA00  }
0x10b: {  	[tilespmem:s15], [sflag:$0x1] =	stream.indirect_vreg.gather [hbm4b:s4+s2], $0x80, v4, vm0, $0xb8;
	[tilespmem:$0x10200] =	vst v63  }
0x10c: {  	s15 =	simm.s32 $0xF200  }
0x10d: {  	[tilespmem:s15], [sflag:$0x1] =	stream.indirect_vreg.gather [hbm4b:s3+s2], $0x80, v3, vm0, $0xb8;
	[tilespmem:$0x10200] =	vst v63  }
0x10e: {  	s15 =	simm.s32 $0xFA00  }
0x10f: {  	[tilespmem:s15], [sflag:$0x1] =	stream.indirect_vreg.gather [hbm4b:s4+s2], $0x80, v3, vm0, $0xb8;
	[tilespmem:$0x10200] =	vst v63  }
0x110: {  	_ =	swait.ge [sflag:s14], $0x10000  }
0x111: {  	[sflag:s14] =	ssyncset.done $0x0  }
0x112: {  	s15 =	rddreg [dreg:$0x4];
	[sflag:s14] =	ssyncadd.s32 $0xFFFF0000  }
0x113: {  	[hbm4b:s15+s2] =	stream.linear.scatter [tilespmem:s0], [sflag:$0x2], $0x10000, $0x38;
	[tilespmem:$0x10200] =	vst v63  }
0x114: {  	_ =	swait.ge [sflag:s6], $0x10000  }
0x115: {  	[sflag:s6] =	ssyncset.done $0x0  }
0x116: {  	[sflag:s6] =	ssyncadd.s32 $0xFFFF0000  }
0x117: {  	v3 =	vld [tilespmem:$0x100];
	_ =	sdelay $0x4  }
0x118: {  	v56 =	vshll.u32 v3, $0x2  }
0x119: {  	v3 =	vand.u32 $0x7, v3;
	v4 =	vand.u32 $0xFFFFFFE0, v56  }
0x11a: {  	v3 =	vor.u32 v3, v4  }
0x11b: {  	v4 =	vperm.xlane v3, v0;
	_ =	sdelay $0x1  }
0x11c: {  	v4 =	vadd.s32 v1, v4;
	_ =	sdelay $0x1  }
0x11d: {  	v3 =	vperm.xlane v3, v2;
	_ =	sdelay $0x1  }
0x11e: {  	v3 =	vadd.s32 v1, v3  }
0x11f: {  	[tilespmem:s0], [sflag:$0x1] =	stream.indirect_vreg.gather [hbm4b:s3+s2], $0x80, v4, vm0, $0xb8;
	[tilespmem:$0x10200] =	vst v63  }
0x120: {  	_ = 	snop  }
0x121: {  	[tilespmem:s16], [sflag:$0x1] =	stream.indirect_vreg.gather [hbm4b:s4+s2], $0x80, v4, vm0, $0xb8;
	[tilespmem:$0x10200] =	vst v63  }
0x122: {  	_ = 	snop  }
0x123: {  	[tilespmem:s17], [sflag:$0x1] =	stream.indirect_vreg.gather [hbm4b:s3+s2], $0x80, v3, vm0, $0xb8;
	[tilespmem:$0x10200] =	vst v63  }
0x124: {  	_ = 	snop  }
0x125: {  	[tilespmem:s18], [sflag:$0x1] =	stream.indirect_vreg.gather [hbm4b:s4+s2], $0x80, v3, vm0, $0xb8;
	[tilespmem:$0x10200] =	vst v63  }
0x126: {  	v3 =	vld [tilespmem:$0x110];
	_ =	sdelay $0x4  }
0x127: {  	v57 =	vshll.u32 v3, $0x2  }
0x128: {  	v3 =	vand.u32 $0x7, v3;
	v4 =	vand.u32 $0xFFFFFFE0, v57  }
0x129: {  	v3 =	vor.u32 v3, v4  }
0x12a: {  	v4 =	vperm.xlane v3, v0;
	_ =	sdelay $0x1  }
0x12b: {  	v4 =	vadd.s32 v1, v4;
	_ =	sdelay $0x1  }
0x12c: {  	v3 =	vperm.xlane v3, v2;
	_ =	sdelay $0x1  }
0x12d: {  	v3 =	vadd.s32 v1, v3  }
0x12e: {  	[tilespmem:s19], [sflag:$0x1] =	stream.indirect_vreg.gather [hbm4b:s3+s2], $0x80, v4, vm0, $0xb8;
	[tilespmem:$0x10200] =	vst v63  }
0x12f: {  	_ = 	snop  }
0x130: {  	[tilespmem:s20], [sflag:$0x1] =	stream.indirect_vreg.gather [hbm4b:s4+s2], $0x80, v4, vm0, $0xb8;
	[tilespmem:$0x10200] =	vst v63  }
0x131: {  	_ = 	snop  }
0x132: {  	[tilespmem:s21], [sflag:$0x1] =	stream.indirect_vreg.gather [hbm4b:s3+s2], $0x80, v3, vm0, $0xb8;
	[tilespmem:$0x10200] =	vst v63  }
0x133: {  	_ = 	snop  }
0x134: {  	[tilespmem:s22], [sflag:$0x1] =	stream.indirect_vreg.gather [hbm4b:s4+s2], $0x80, v3, vm0, $0xb8;
	[tilespmem:$0x10200] =	vst v63  }
0x135: {  	v3 =	vld [tilespmem:$0x120];
	_ =	sdelay $0x4  }
0x136: {  	v58 =	vshll.u32 v3, $0x2  }
0x137: {  	v3 =	vand.u32 $0x7, v3;
	v4 =	vand.u32 $0xFFFFFFE0, v58  }
0x138: {  	v3 =	vor.u32 v3, v4  }
0x139: {  	v4 =	vperm.xlane v3, v0;
	_ =	sdelay $0x1  }
0x13a: {  	v4 =	vadd.s32 v1, v4;
	_ =	sdelay $0x1  }
0x13b: {  	v3 =	vperm.xlane v3, v2;
	_ =	sdelay $0x1  }
0x13c: {  	v3 =	vadd.s32 v1, v3  }
0x13d: {  	[tilespmem:s23], [sflag:$0x1] =	stream.indirect_vreg.gather [hbm4b:s3+s2], $0x80, v4, vm0, $0xb8;
	[tilespmem:$0x10200] =	vst v63  }
0x13e: {  	_ = 	snop  }
0x13f: {  	[tilespmem:s24], [sflag:$0x1] =	stream.indirect_vreg.gather [hbm4b:s4+s2], $0x80, v4, vm0, $0xb8;
	[tilespmem:$0x10200] =	vst v63  }
0x140: {  	_ = 	snop  }
0x141: {  	[tilespmem:s25], [sflag:$0x1] =	stream.indirect_vreg.gather [hbm4b:s3+s2], $0x80, v3, vm0, $0xb8;
	[tilespmem:$0x10200] =	vst v63  }
0x142: {  	_ = 	snop  }
0x143: {  	[tilespmem:s26], [sflag:$0x1] =	stream.indirect_vreg.gather [hbm4b:s4+s2], $0x80, v3, vm0, $0xb8;
	[tilespmem:$0x10200] =	vst v63  }
0x144: {  	v3 =	vld [tilespmem:$0x130];
	_ =	sdelay $0x4  }
0x145: {  	v59 =	vshll.u32 v3, $0x2  }
0x146: {  	v3 =	vand.u32 $0x7, v3;
	v4 =	vand.u32 $0xFFFFFFE0, v59  }
0x147: {  	v3 =	vor.u32 v3, v4  }
0x148: {  	v4 =	vperm.xlane v3, v0;
	_ =	sdelay $0x1  }
0x149: {  	v4 =	vadd.s32 v1, v4;
	_ =	sdelay $0x1  }
0x14a: {  	v3 =	vperm.xlane v3, v2;
	_ =	sdelay $0x1  }
0x14b: {  	v3 =	vadd.s32 v1, v3  }
0x14c: {  	[tilespmem:s28], [sflag:$0x1] =	stream.indirect_vreg.gather [hbm4b:s3+s2], $0x80, v4, vm0, $0xb8;
	[tilespmem:$0x10200] =	vst v63  }
0x14d: {  	_ = 	snop  }
0x14e: {  	[tilespmem:s29], [sflag:$0x1] =	stream.indirect_vreg.gather [hbm4b:s4+s2], $0x80, v4, vm0, $0xb8;
	[tilespmem:$0x10200] =	vst v63  }
0x14f: {  	_ = 	snop  }
0x150: {  	[tilespmem:s30], [sflag:$0x1] =	stream.indirect_vreg.gather [hbm4b:s3+s2], $0x80, v3, vm0, $0xb8;
	[tilespmem:$0x10200] =	vst v63  }
0x151: {  	_ = 	snop  }
0x152: {  	[tilespmem:s31], [sflag:$0x1] =	stream.indirect_vreg.gather [hbm4b:s4+s2], $0x80, v3, vm0, $0xb8;
	[tilespmem:$0x10200] =	vst v63  }
0x153: {  	v3 =	vld [tilespmem:$0x140];
	_ =	sdelay $0x4  }
0x154: {  	v60 =	vshll.u32 v3, $0x2  }
0x155: {  	v3 =	vand.u32 $0x7, v3;
	v4 =	vand.u32 $0xFFFFFFE0, v60  }
0x156: {  	v3 =	vor.u32 v3, v4  }
0x157: {  	v4 =	vperm.xlane v3, v0;
	_ =	sdelay $0x1  }
0x158: {  	v4 =	vadd.s32 v1, v4;
	_ =	sdelay $0x1  }
0x159: {  	v3 =	vperm.xlane v3, v2;
	_ =	sdelay $0x1  }
0x15a: {  	s15 =	simm.s32 $0x8200;
	v3 =	vadd.s32 v1, v3  }
0x15b: {  	[tilespmem:s15], [sflag:$0x1] =	stream.indirect_vreg.gather [hbm4b:s3+s2], $0x80, v4, vm0, $0xb8;
	[tilespmem:$0x10200] =	vst v63  }
0x15c: {  	_ = 	snop  }
0x15d: {  	[tilespmem:s1], [sflag:$0x1] =	stream.indirect_vreg.gather [hbm4b:s4+s2], $0x80, v4, vm0, $0xb8;
	[tilespmem:$0x10200] =	vst v63  }
0x15e: {  	_ = 	snop  }
0x15f: {  	[tilespmem:s8], [sflag:$0x1] =	stream.indirect_vreg.gather [hbm4b:s3+s2], $0x80, v3, vm0, $0xb8;
	[tilespmem:$0x10200] =	vst v63  }
0x160: {  	_ = 	snop  }
0x161: {  	[tilespmem:s9], [sflag:$0x1] =	stream.indirect_vreg.gather [hbm4b:s4+s2], $0x80, v3, vm0, $0xb8;
	[tilespmem:$0x10200] =	vst v63  }
0x162: {  	v3 =	vld [tilespmem:$0x150];
	_ =	sdelay $0x4  }
0x163: {  	v61 =	vshll.u32 v3, $0x2  }
0x164: {  	v3 =	vand.u32 $0x7, v3;
	v4 =	vand.u32 $0xFFFFFFE0, v61  }
0x165: {  	v3 =	vor.u32 v3, v4  }
0x166: {  	v4 =	vperm.xlane v3, v0;
	_ =	sdelay $0x1  }
0x167: {  	v4 =	vadd.s32 v1, v4;
	_ =	sdelay $0x1  }
0x168: {  	v3 =	vperm.xlane v3, v2;
	_ =	sdelay $0x1  }
0x169: {  	v3 =	vadd.s32 v1, v3  }
0x16a: {  	[tilespmem:s10], [sflag:$0x1] =	stream.indirect_vreg.gather [hbm4b:s3+s2], $0x80, v4, vm0, $0xb8;
	[tilespmem:$0x10200] =	vst v63  }
0x16b: {  	_ = 	snop  }
0x16c: {  	[tilespmem:s11], [sflag:$0x1] =	stream.indirect_vreg.gather [hbm4b:s4+s2], $0x80, v4, vm0, $0xb8;
	[tilespmem:$0x10200] =	vst v63  }
0x16d: {  	_ = 	snop  }
0x16e: {  	[tilespmem:s12], [sflag:$0x1] =	stream.indirect_vreg.gather [hbm4b:s3+s2], $0x80, v3, vm0, $0xb8;
	[tilespmem:$0x10200] =	vst v63  }
0x16f: {  	_ = 	snop  }
0x170: {  	[tilespmem:s13], [sflag:$0x1] =	stream.indirect_vreg.gather [hbm4b:s4+s2], $0x80, v3, vm0, $0xb8;
	[tilespmem:$0x10200] =	vst v63  }
0x171: {  	v3 =	vld [tilespmem:$0x160];
	_ =	sdelay $0x4  }
0x172: {  	v62 =	vshll.u32 v3, $0x2  }
0x173: {  	v3 =	vand.u32 $0x7, v3;
	v4 =	vand.u32 $0xFFFFFFE0, v62  }
0x174: {  	v3 =	vor.u32 v3, v4  }
0x175: {  	v4 =	vperm.xlane v3, v0;
	_ =	sdelay $0x1  }
0x176: {  	v4 =	vadd.s32 v1, v4;
	_ =	sdelay $0x1  }
0x177: {  	v3 =	vperm.xlane v3, v2;
	_ =	sdelay $0x1  }
0x178: {  	v3 =	vadd.s32 v1, v3  }
0x179: {  	[tilespmem:s7], [sflag:$0x1] =	stream.indirect_vreg.gather [hbm4b:s3+s2], $0x80, v4, vm0, $0xb8;
	[tilespmem:$0x10200] =	vst v63  }
0x17a: {  	s15 =	simm.s32 $0xCA00  }
0x17b: {  	[tilespmem:s15], [sflag:$0x1] =	stream.indirect_vreg.gather [hbm4b:s4+s2], $0x80, v4, vm0, $0xb8;
	[tilespmem:$0x10200] =	vst v63  }
0x17c: {  	s15 =	simm.s32 $0xD200  }
0x17d: {  	[tilespmem:s15], [sflag:$0x1] =	stream.indirect_vreg.gather [hbm4b:s3+s2], $0x80, v3, vm0, $0xb8;
	[tilespmem:$0x10200] =	vst v63  }
0x17e: {  	s15 =	simm.s32 $0xDA00  }
0x17f: {  	[tilespmem:s15], [sflag:$0x1] =	stream.indirect_vreg.gather [hbm4b:s4+s2], $0x80, v3, vm0, $0xb8;
	[tilespmem:$0x10200] =	vst v63  }
0x180: {  	v3 =	vld [tilespmem:$0x170];
	_ =	sdelay $0x4  }
0x181: {  	v63 =	vshll.u32 v3, $0x2  }
0x182: {  	v3 =	vand.u32 $0x7, v3;
	v4 =	vand.u32 $0xFFFFFFE0, v63  }
0x183: {  	v3 =	vor.u32 v3, v4  }
0x184: {  	v4 =	vperm.xlane v3, v0;
	_ =	sdelay $0x1  }
0x185: {  	v4 =	vadd.s32 v1, v4;
	_ =	sdelay $0x1  }
0x186: {  	v3 =	vperm.xlane v3, v2;
	_ =	sdelay $0x1  }
0x187: {  	s15 =	simm.s32 $0xE200;
	v3 =	vadd.s32 v1, v3  }
0x188: {  	[tilespmem:s15], [sflag:$0x1] =	stream.indirect_vreg.gather [hbm4b:s3+s2], $0x80, v4, vm0, $0xb8;
	[tilespmem:$0x10200] =	vst v63  }
0x189: {  	s15 =	simm.s32 $0xEA00  }
0x18a: {  	[tilespmem:s15], [sflag:$0x1] =	stream.indirect_vreg.gather [hbm4b:s4+s2], $0x80, v4, vm0, $0xb8;
	[tilespmem:$0x10200] =	vst v63  }
0x18b: {  	s15 =	simm.s32 $0xF200  }
0x18c: {  	[tilespmem:s15], [sflag:$0x1] =	stream.indirect_vreg.gather [hbm4b:s3+s2], $0x80, v3, vm0, $0xb8;
	[tilespmem:$0x10200] =	vst v63  }
0x18d: {  	s15 =	simm.s32 $0xFA00  }
0x18e: {  	[tilespmem:s15], [sflag:$0x1] =	stream.indirect_vreg.gather [hbm4b:s4+s2], $0x80, v3, vm0, $0xb8;
	[tilespmem:$0x10200] =	vst v63  }
0x18f: {  	_ =	swait.ge [sflag:s14], $0x10000  }
0x190: {  	p0 =	sne.s32 s5, $0x1;
	[sflag:s14] =	ssyncset.done $0x0  }
.Ltmp0:
0x191: {  	s1 =	rddreg [dreg:$0x5];
	[sflag:s14] =	ssyncadd.s32 $0xFFFF0000;
	(pc) =	sbr.rel @p0 .LBB2_1-.Ltmp0, $4  }
0x192: {  	[hbm4b:s1+s2] =	stream.linear.scatter [tilespmem:s0], [sflag:$0x2], $0x10000, $0x38;
	[tilespmem:$0x10200] =	vst v63  }
0x193: {  	_ =	swait.ge [sflag:s6], $0x10000  }
0x194: {  	[sflag:s6] =	ssyncset.done $0x0  }
0x195: {  	s5 =	sadd.s32 $0xFFFFFFFF, s5;
	[sflag:s6] =	ssyncadd.s32 $0xFFFF0000  }
0x196: {  	_ =	sfence.sel $0x180000  }
0x197: {  	[bflag:$0x0] =	sbarrier.arrive $0xFFFF  }
0x198: {  	_ =	strace $0x90000047  }
0x199: {  	s0 =	stileid.u32;
	[bflag:$0x2] =	sbarrier.arrive $0xFFFF  }
0x19a: {  	p0 =	sne.s32 s0, $0x0;
	s0 =	rddreg [dreg:$0x1]  }
0x19b: {  	s0 =	sadd.s32 @!p0 $0x100000, s0  }
0x19c: {  	[sflag:s0] =	ssyncadd.tile.s32 @!p0 $0x1;
	_ =	shalt  }
.Lfunc_end2:
_tile_overlayer_lowered:
.L_overlay_start_2:
0x19d: {  	(tag) =	ssettag $0x2  }
0x19e: {  	s0 =	rddreg [dreg:$0x0];
	s2 =	stileid.u32  }
0x19f: {  	s1 =	rddreg [dreg:$0x1];
	p0 =	sne.s32 s2, $0x0  }
0x1a0: {  	s3 =	rddreg [dreg:$0x2];
	[bflag:$0x3] =	sbarrier.arrive $0xFFFF;
	s2 =	simm.s32 @!p0 $0x1C02  }
0x1a1: {  	[timem:s3], [sflag:s2] =	dma.local @!p0 [hbm:s0], s1  }
0x1a2: {  	s0 =	simm.s32 @!p0 $0x2  }
0x1a3: {  	_ =	swait.ge @!p0 [sflag:s0], s1  }
0x1a4: {  	s1 =	ssub.s32 @!p0 $0x0, s1;
	[sflag:s0] =	ssyncset.done @!p0 $0x0  }
0x1a5: {  	[sflag:s0] =	ssyncadd.s32 @!p0 s1  }
0x1a6: {  	[bflag:$0x3] =	sbarrier.arrive $0xFFFF  }
0x1a7: {  	_ =	shalt  }

</sc_bundles>
